<compile_context>
chip_gen: v7x
topology: tpu7x:2x2x1
jax: 0.10.2.dev20260603
libtpu: 0.0.44.dev20260713+nightly
codegen_flags: <defaults>
</compile_context>

<pallas_src>
import jax
import jax.numpy as jnp
from jax import lax
from jax.experimental import pallas as pl
from jax.experimental.pallas import tpu as pltpu
from jax.experimental.pallas import tpu_sc as plsc

B = 8
NN = 512
EN = 1024
K = 16
D = 768
V = 8192
MAXLEN = 2048
ACT = 1024
NR = B * NN
HB = 4
C = 64
NCH = 1
TPW = NCH * C
NBUF = 2


def _make_sc_body(half):
    def _sc_body(nd_h, ed_h, atom_h, edge_h, feat_h,
                 idxa, idxe, b00, b10,
                 ga0, ga1, w0, w1):
        cid = lax.axis_index("c")
        sid = lax.axis_index("s")
        wid = sid * 2 + cid
        b = wid // 8
        qq = wid % 8
        nb = b * ACT + qq * TPW
        eb = nb + NN
        noff = (half * HB + b) * NN + qq * TPW
        eoff = (half * HB + b) * EN + qq * TPW
        ia = pltpu.async_copy(nd_h.at[pl.ds(noff, TPW)], idxa, w0)
        ie = pltpu.async_copy(ed_h.at[pl.ds(eoff, TPW)], idxe, w1)
        ia.wait()
        ie.wait()

        bufs = [b00, b10]
        gsem = [ga0, ga1]
        wsem = [w0, w1]

        def issue(i):
            s = i % NBUF
            if i < NCH:
                return pltpu.async_copy(atom_h.at[idxa], bufs[s], gsem[s])
            return pltpu.async_copy(edge_h.at[idxe], bufs[s], gsem[s])

        def wrow(i):
            if i < NCH:
                return feat_h.at[pl.ds(nb + i * C, C)]
            return feat_h.at[pl.ds(eb + (i - NCH) * C, C)]

        NTOT = 2 * NCH
        gd = [None] * NBUF
        wd = [None] * NBUF
        for p in range(min(NBUF - 1, NTOT)):
            gd[p] = issue(p)
        for i in range(NTOT):
            s = i % NBUF
            nxt = i + NBUF - 1
            if nxt < NTOT:
                ns = nxt % NBUF
                if wd[ns] is not None:
                    wd[ns].wait()
                    wd[ns] = None
                gd[ns] = issue(nxt)
            gd[s].wait()
            wd[s] = pltpu.async_copy(bufs[s], wrow(i), wsem[s])
        for d in wd:
            if d is not None:
                d.wait()

    return _sc_body


def _tc_zero_body(out_ref):
    out_ref[...] = jnp.zeros((1, ACT, D), jnp.float32)


def _tc_body(lapn_ref, euv_ref, feat_ref,
             w_ref, ord_ref, zo_ref, out_ref):
    del zo_ref
    lapn = lapn_ref[...]
    uu = euv_ref[:, 0:1]
    vv = euv_ref[:, 8:9]
    col = lax.broadcasted_iota(jnp.int32, (NN, NN), 1)
    e0 = jnp.dot((uu == col).astype(jnp.float32), lapn,
                 preferred_element_type=jnp.float32)
    e1 = jnp.dot((vv == col).astype(jnp.float32), lapn,
                 preferred_element_type=jnp.float32)
    u = jnp.concatenate([lapn, e0], axis=0)
    v = jnp.concatenate([lapn, e1], axis=0)
    eqf = jnp.concatenate(
        [jnp.ones((NN, 1), jnp.float32),
         (uu == vv).astype(jnp.float32)], axis=0)
    wm = w_ref[...]
    dn = (((1,), (1,)), ((), ()))
    le = (lax.dot_general(u, wm[:, :K], dn,
                          preferred_element_type=jnp.float32)
          + lax.dot_general(v, wm[:, K:], dn,
                            preferred_element_type=jnp.float32))
    o0 = ord_ref[0:1, :]
    oe = o0 + eqf * (ord_ref[1:2, :] - o0)
    out_ref[0] = feat_ref[...] + le + oe


def _sc_gather(half, nd, ed, atom_emb, edge_emb):
    mesh = plsc.VectorSubcoreMesh(core_axis_name="c", subcore_axis_name="s")
    return pl.kernel(
        _make_sc_body(half),
        out_type=jax.ShapeDtypeStruct((HB * ACT, D), jnp.float32),
        mesh=mesh,
        scratch_types=[
            pltpu.VMEM((TPW,), jnp.int32),
            pltpu.VMEM((TPW,), jnp.int32),
            pltpu.VMEM((C, D), jnp.float32),
            pltpu.VMEM((C, D), jnp.float32),
            pltpu.SemaphoreType.DMA,
            pltpu.SemaphoreType.DMA,
            pltpu.SemaphoreType.DMA,
            pltpu.SemaphoreType.DMA,
        ],
    )(nd, ed, atom_emb, edge_emb)


def _tc_combine(half, lapf, euv, feat, lapw, ordm, prev):
    off = half * HB
    return pl.pallas_call(
        _tc_body,
        grid=(HB,),
        in_specs=[
            pl.BlockSpec((NN, K), lambda b: (b + off, 0)),
            pl.BlockSpec((NN, 16), lambda b: (b + off, 0)),
            pl.BlockSpec((ACT, D), lambda b: (b, 0)),
            pl.BlockSpec((D, 2 * K), lambda b: (0, 0)),
            pl.BlockSpec((2, D), lambda b: (0, 0)),
            pl.BlockSpec(memory_space=pl.ANY),
        ],
        out_specs=pl.BlockSpec((1, ACT, D), lambda b: (b + off, 0, 0)),
        out_shape=jax.ShapeDtypeStruct((B, MAXLEN, D), jnp.float32),
        input_output_aliases={5: 0},
    )(lapf, euv, feat, lapw, ordm, prev)


def kernel(node_data, node_num, lap_eigvec, edge_index, edge_data, edge_num,
           atom_emb, edge_emb, lap_W, order_emb):
    nd = node_data.reshape(B * NN).astype(jnp.int32)
    ed = edge_data.reshape(B * EN).astype(jnp.int32)

    ei = edge_index.astype(jnp.int32)
    euv = jnp.repeat(
        ei.reshape(2, B, EN)[:, :, :NN].transpose(1, 2, 0).reshape(NR, 2),
        8, axis=1)

    lapf = lap_eigvec.astype(jnp.float32)
    lapw = lap_W.astype(jnp.float32)
    ordm = order_emb.astype(jnp.float32)

    feat_a = _sc_gather(0, nd, ed, atom_emb, edge_emb)
    feat_b = _sc_gather(1, nd, ed, atom_emb, edge_emb)

    zhalf = pl.pallas_call(
        _tc_zero_body,
        grid=(B,),
        out_specs=pl.BlockSpec((1, ACT, D), lambda b: (b, 1, 0)),
        out_shape=jax.ShapeDtypeStruct((B, MAXLEN, D), jnp.float32),
    )()

    out = _tc_combine(0, lapf, euv, feat_a, lapw, ordm, zhalf)
    out = _tc_combine(1, lapf, euv, feat_b, lapw, ordm, out)
    return out

# --- scband reference (transcript-rebuilt; emitter-appended) ---
"""Pipeline reference for scband-graph-feature-tokenizer-56160992362538 (READ-ONLY COPY).

The authoritative reference and input builder live on the scoring server;
editing this copy changes nothing except your own understanding.
"""

import jax, jax.numpy as jnp
import numpy as np

B = 8
NN = 512
EN = 1024
K = 16
D = 768
V = 8192
F = 1


def setup_inputs(seed: int = 0):
    key = jax.random.key(seed)
    ks = jax.random.split(key, 8)
    node_data = jax.random.randint(ks[0], (B * NN, F), 0, V)
    lap_eigvec = jax.random.normal(ks[1], (B * NN, K), dtype=jnp.float32)
    edge_index = jax.random.randint(ks[2], (2, B * EN), 0, NN)
    edge_data = jax.random.randint(ks[3], (B * EN, F), 0, V)
    atom_emb = (jax.random.normal(ks[4], (V, D), dtype=jnp.float32) * 0.02).at[0].set(0.0)
    edge_emb = (jax.random.normal(ks[5], (V, D), dtype=jnp.float32) * 0.02).at[0].set(0.0)
    lap_W = jax.random.normal(ks[6], (D, 2 * K), dtype=jnp.float32) * (0.02 / np.sqrt(12.0))
    order_emb = jax.random.normal(ks[7], (2, D), dtype=jnp.float32) * 0.02
    return {"node_data": node_data, "node_num": NN, "lap_eigvec": lap_eigvec, "edge_index": edge_index, "edge_data": edge_data, "edge_num": EN, "atom_emb": atom_emb, "edge_emb": edge_emb, "lap_W": lap_W, "order_emb": order_emb}


def reference(node_data, node_num, lap_eigvec, edge_index, edge_data, edge_num, atom_emb, edge_emb, lap_W, order_emb):
    n = node_data.shape[0] // B; e = edge_index.shape[1] // B
    b = node_data.shape[0] // n
    f = node_data.shape[1]; d = atom_emb.shape[1]; k = lap_eigvec.shape[1]
    seq = max(n, e); max_len = 2 * seq
    # token-mode encoders: embedding gathers
    node_feature = atom_emb[node_data]   # [b*n, F, D]
    edge_feature = edge_emb[edge_data]   # [b*e, F, D]
    # flat token positions of nodes/edges inside padded [b, max_len] layout (uniform ragged sizes)
    node_pos = (np.arange(b)[:, None] * max_len + np.arange(n)[None, :]).reshape(-1)
    edge_pos = (np.arange(b)[:, None] * max_len + n + np.arange(e)[None, :]).reshape(-1)
    # get_batch: scatter node/edge features into padded token buffer (init ones, as in torch)
    padded_feature = jnp.ones((b * max_len, f, d), dtype=node_feature.dtype)
    padded_feature = padded_feature.at[node_pos].set(node_feature).at[edge_pos].set(edge_feature)
    padded_feature = padded_feature.reshape(b, max_len, f, d)
    node_local = jnp.asarray(np.tile(np.arange(n), b), dtype=edge_index.dtype)
    node_idx2 = jnp.stack([node_local, node_local], axis=1)
    padded_index = jnp.zeros((b * max_len, 2), dtype=edge_index.dtype)
    padded_index = padded_index.at[node_pos].set(node_idx2).at[edge_pos].set(edge_index.T)
    padded_index = padded_index.reshape(b, max_len, 2)
    padding_mask = jnp.broadcast_to(jnp.arange(max_len)[None, :] >= seq, (b, max_len))
    # get_index_embed with lap_eigvec as node ids
    padded_node_id = lap_eigvec.reshape(b, n, k)
    idx0 = jnp.broadcast_to(padded_index[:, :, 0][:, :, None], (b, max_len, k))
    idx1 = jnp.broadcast_to(padded_index[:, :, 1][:, :, None], (b, max_len, k))
    e0 = jnp.take_along_axis(padded_node_id, idx0, axis=1)
    e1 = jnp.take_along_axis(padded_node_id, idx1, axis=1)
    index_embed = jnp.concatenate([e0, e1], axis=-1)  # [b, max_len, 2k]
    lap_embed = index_embed @ lap_W.T                 # lap_encoder (no bias)
    # get_type_embed
    order = (padded_index[:, :, 0] == padded_index[:, :, 1]).astype(jnp.int32)
    order_embed = order_emb[order]
    out = padded_feature.sum(axis=-2) + lap_embed + order_embed
    out = jnp.where(padding_mask[:, :, None], 0.0, out)
    out = out + jnp.asarray(node_num + edge_num, dtype=out.dtype) * 0.0
    return out

if __name__ == "__main__":
    import jax
    _d = setup_inputs()
    print(jax.jit(kernel)(*tuple(_d.values())))

</pallas_src>

<mosaic_0001>
#map = affine_map<(d0, d1) -> (0)>
#map1 = affine_map<(d0, d1) -> (0, 0)>
module attributes {stable_mosaic.version = 14 : i64} {
  func.func @_sc_body(%arg0: i32, %arg1: i32, %arg2: memref<4096xi32, #tpu.memory_space<hbm>>, %arg3: memref<8192xi32, #tpu.memory_space<hbm>>, %arg4: memref<8192x768xf32, #tpu.memory_space<hbm>>, %arg5: memref<8192x768xf32, #tpu.memory_space<hbm>>, %arg6: memref<4096x768xf32, #tpu.memory_space<hbm>>, %arg7: memref<64xi32, #tpu.memory_space<vmem>>, %arg8: memref<64xi32, #tpu.memory_space<vmem>>, %arg9: memref<64x768xf32, #tpu.memory_space<vmem>>, %arg10: memref<64x768xf32, #tpu.memory_space<vmem>>, %arg11: memref<!tpu.dma_semaphore, #tpu.memory_space<semaphore_mem>>, %arg12: memref<!tpu.dma_semaphore, #tpu.memory_space<semaphore_mem>>, %arg13: memref<!tpu.dma_semaphore, #tpu.memory_space<semaphore_mem>>, %arg14: memref<!tpu.dma_semaphore, #tpu.memory_space<semaphore_mem>>) attributes {dimension_semantics = [#tpu.dimension_semantics<core_parallel>, #tpu.dimension_semantics<subcore_parallel>], iteration_bounds = array<i64: 2, 16>, scalar_prefetch = 0 : i64, scratch_operands = 8 : i64, tpu.core_type = #tpu.core_type<sc_vector_subcore>, window_params = [{transform_indices = #map}, {transform_indices = #map}, {transform_indices = #map1}, {transform_indices = #map1}, {transform_indices = #map1}]} {
    %mul3A = arith.constant 2 : i32
    %mul3A_0 = arith.muli %arg1, %mul3A : i32
    %add3A = arith.addi %mul3A_0, %arg0 : i32
    %jit3A = arith.constant 8 : i32
    %div3A = arith.divsi %add3A, %jit3A : i32
    %sign3A = arith.constant 0 : i32
    %sign3A_1 = arith.cmpi sgt, %add3A, %sign3A : i32
    %sign3A_2 = arith.extui %sign3A_1 : i1 to i32
    %sign3A_3 = arith.constant 0 : i32
    %sign3A_4 = arith.cmpi slt, %add3A, %sign3A_3 : i32
    %sign3A_5 = arith.extui %sign3A_4 : i1 to i32
    %sign3A_6 = arith.subi %sign3A_2, %sign3A_5 : i32
    %sign3A_7 = arith.constant 0 : i32
    %sign3A_8 = arith.cmpi sgt, %jit3A, %sign3A_7 : i32
    %sign3A_9 = arith.extui %sign3A_8 : i1 to i32
    %sign3A_10 = arith.constant 0 : i32
    %sign3A_11 = arith.cmpi slt, %jit3A, %sign3A_10 : i32
    %sign3A_12 = arith.extui %sign3A_11 : i1 to i32
    %sign3A_13 = arith.subi %sign3A_9, %sign3A_12 : i32
    %ne3A = arith.cmpi ne, %sign3A_6, %sign3A_13 : i32
    %rem3A = arith.remsi %add3A, %jit3A : i32
    %ne3A_14 = arith.constant 0 : i32
    %ne3A_15 = arith.cmpi ne, %rem3A, %ne3A_14 : i32
    %and3A = arith.andi %ne3A, %ne3A_15 : i1
    %sub3A = arith.constant 1 : i32
    %sub3A_16 = arith.subi %div3A, %sub3A : i32
    %select_n3A = arith.select %and3A, %sub3A_16, %div3A : i32
    %jit3A_17 = arith.constant 8 : i32
    %eq3A = arith.constant 0 : i32
    %eq3A_18 = arith.cmpi eq, %jit3A_17, %eq3A : i32
    %jit3A_19 = arith.constant 1 : i32
    %select_n3A_20 = arith.select %eq3A_18, %jit3A_19, %jit3A_17 : i32
    %rem3A_21 = arith.remsi %add3A, %select_n3A_20 : i32
    %ne3A_22 = arith.constant 0 : i32
    %ne3A_23 = arith.cmpi ne, %rem3A_21, %ne3A_22 : i32
    %lt3A = arith.constant 0 : i32
    %lt3A_24 = arith.cmpi slt, %rem3A_21, %lt3A : i32
    %lt3A_25 = arith.constant 0 : i32
    %lt3A_26 = arith.cmpi slt, %select_n3A_20, %lt3A_25 : i32
    %ne3A_27 = arith.xori %lt3A_24, %lt3A_26 : i1
    %and3A_28 = arith.andi %ne3A_27, %ne3A_23 : i1
    %add3A_29 = arith.addi %rem3A_21, %select_n3A_20 : i32
    %select_n3A_30 = arith.select %and3A_28, %add3A_29, %rem3A_21 : i32
    %mul3A_31 = arith.constant 1024 : i32
    %mul3A_32 = arith.muli %select_n3A, %mul3A_31 : i32
    %mul3A_33 = arith.constant 64 : i32
    %mul3A_34 = arith.muli %select_n3A_30, %mul3A_33 : i32
    %add3A_35 = arith.addi %mul3A_32, %mul3A_34 : i32
    %add3A_36 = arith.constant 512 : i32
    %add3A_37 = arith.addi %add3A_35, %add3A_36 : i32
    %add3A_38 = arith.constant 4 : i32
    %add3A_39 = arith.addi %add3A_38, %select_n3A : i32
    %mul3A_40 = arith.constant 512 : i32
    %mul3A_41 = arith.muli %add3A_39, %mul3A_40 : i32
    %mul3A_42 = arith.constant 64 : i32
    %mul3A_43 = arith.muli %select_n3A_30, %mul3A_42 : i32
    %add3A_44 = arith.addi %mul3A_41, %mul3A_43 : i32
    %add3A_45 = arith.constant 4 : i32
    %add3A_46 = arith.addi %add3A_45, %select_n3A : i32
    %mul3A_47 = arith.constant 1024 : i32
    %mul3A_48 = arith.muli %add3A_46, %mul3A_47 : i32
    %mul3A_49 = arith.constant 64 : i32
    %mul3A_50 = arith.muli %select_n3A_30, %mul3A_49 : i32
    %add3A_51 = arith.addi %mul3A_48, %mul3A_50 : i32
    %dma_start3A = tpu.memref_slice %arg2[%add3A_44] : memref<4096xi32, #tpu.memory_space<hbm>> -> memref<64xi32, #tpu.memory_space<hbm>>
    %dma_start3A_52 = tpu.memref_slice %arg2[%add3A_44] : memref<4096xi32, #tpu.memory_space<hbm>> -> memref<64xi32, #tpu.memory_space<hbm>>
    tpu.enqueue_dma source(%dma_start3A_52 : memref<64xi32, #tpu.memory_space<hbm>>) target(%arg7 : memref<64xi32, #tpu.memory_space<vmem>>) target_semaphore(%arg13 : memref<!tpu.dma_semaphore, #tpu.memory_space<semaphore_mem>>)
    %dma_start3A_53 = tpu.memref_slice %arg3[%add3A_51] : memref<8192xi32, #tpu.memory_space<hbm>> -> memref<64xi32, #tpu.memory_space<hbm>>
    %dma_start3A_54 = tpu.memref_slice %arg3[%add3A_51] : memref<8192xi32, #tpu.memory_space<hbm>> -> memref<64xi32, #tpu.memory_space<hbm>>
    tpu.enqueue_dma source(%dma_start3A_54 : memref<64xi32, #tpu.memory_space<hbm>>) target(%arg8 : memref<64xi32, #tpu.memory_space<vmem>>) target_semaphore(%arg14 : memref<!tpu.dma_semaphore, #tpu.memory_space<semaphore_mem>>)
    %dma_wait3A = tpu.memref_slice %arg2[%add3A_44] : memref<4096xi32, #tpu.memory_space<hbm>> -> memref<64xi32, #tpu.memory_space<hbm>>
    %dma_wait3A_55 = tpu.memref_slice %arg2[%add3A_44] : memref<4096xi32, #tpu.memory_space<hbm>> -> memref<64xi32, #tpu.memory_space<hbm>>
    tpu.wait_dma2 semaphore(%arg13 : memref<!tpu.dma_semaphore, #tpu.memory_space<semaphore_mem>>) src(%dma_wait3A_55 : memref<64xi32, #tpu.memory_space<hbm>>) dst(%arg7 : memref<64xi32, #tpu.memory_space<vmem>>)
    %dma_wait3A_56 = tpu.memref_slice %arg3[%add3A_51] : memref<8192xi32, #tpu.memory_space<hbm>> -> memref<64xi32, #tpu.memory_space<hbm>>
    %dma_wait3A_57 = tpu.memref_slice %arg3[%add3A_51] : memref<8192xi32, #tpu.memory_space<hbm>> -> memref<64xi32, #tpu.memory_space<hbm>>
    tpu.wait_dma2 semaphore(%arg14 : memref<!tpu.dma_semaphore, #tpu.memory_space<semaphore_mem>>) src(%dma_wait3A_57 : memref<64xi32, #tpu.memory_space<hbm>>) dst(%arg8 : memref<64xi32, #tpu.memory_space<vmem>>)
    %dma_start3A_58 = arith.constant 0 : i32
    %dma_start3A_59 = arith.constant 0 : i32
    %dma_start3A_60 = tpu.memref_slice %arg4[%dma_start3A_58, %dma_start3A_59] : memref<8192x768xf32, #tpu.memory_space<hbm>> -> memref<8192x768xf32, #tpu.memory_space<hbm>>
    tpu.enqueue_indirect_dma source(%dma_start3A_60 : memref<8192x768xf32, #tpu.memory_space<hbm>>) target(%arg9 : memref<64x768xf32, #tpu.memory_space<vmem>>) offsets(%arg7 : memref<64xi32, #tpu.memory_space<vmem>>) semaphore(%arg11 : memref<!tpu.dma_semaphore, #tpu.memory_space<semaphore_mem>>)
    %dma_start3A_61 = arith.constant 0 : i32
    %dma_start3A_62 = arith.constant 0 : i32
    %dma_start3A_63 = tpu.memref_slice %arg5[%dma_start3A_61, %dma_start3A_62] : memref<8192x768xf32, #tpu.memory_space<hbm>> -> memref<8192x768xf32, #tpu.memory_space<hbm>>
    tpu.enqueue_indirect_dma source(%dma_start3A_63 : memref<8192x768xf32, #tpu.memory_space<hbm>>) target(%arg10 : memref<64x768xf32, #tpu.memory_space<vmem>>) offsets(%arg8 : memref<64xi32, #tpu.memory_space<vmem>>) semaphore(%arg12 : memref<!tpu.dma_semaphore, #tpu.memory_space<semaphore_mem>>)
    %dma_wait3A_64 = arith.constant 0 : i32
    %dma_wait3A_65 = arith.constant 0 : i32
    %dma_wait3A_66 = tpu.memref_slice %arg4[%dma_wait3A_64, %dma_wait3A_65] : memref<8192x768xf32, #tpu.memory_space<hbm>> -> memref<8192x768xf32, #tpu.memory_space<hbm>>
    tpu.wait_indirect_dma semaphore(%arg11 : memref<!tpu.dma_semaphore, #tpu.memory_space<semaphore_mem>>) src(%dma_wait3A_66 : memref<8192x768xf32, #tpu.memory_space<hbm>>) dst(%arg9 : memref<64x768xf32, #tpu.memory_space<vmem>>)
    %add3A_67 = arith.constant 0 : i32
    %add3A_68 = arith.addi %add3A_35, %add3A_67 : i32
    %dma_start3A_69 = arith.constant 0 : i32
    %dma_start3A_70 = tpu.memref_slice %arg6[%add3A_68, %dma_start3A_69] : memref<4096x768xf32, #tpu.memory_space<hbm>> -> memref<64x768xf32, #tpu.memory_space<hbm>>
    %dma_start3A_71 = arith.constant 0 : i32
    %dma_start3A_72 = tpu.memref_slice %arg6[%add3A_68, %dma_start3A_71] : memref<4096x768xf32, #tpu.memory_space<hbm>> -> memref<64x768xf32, #tpu.memory_space<hbm>>
    tpu.enqueue_dma source(%arg9 : memref<64x768xf32, #tpu.memory_space<vmem>>) target(%dma_start3A_72 : memref<64x768xf32, #tpu.memory_space<hbm>>) target_semaphore(%arg13 : memref<!tpu.dma_semaphore, #tpu.memory_space<semaphore_mem>>)
    %dma_wait3A_73 = arith.constant 0 : i32
    %dma_wait3A_74 = arith.constant 0 : i32
    %dma_wait3A_75 = tpu.memref_slice %arg5[%dma_wait3A_73, %dma_wait3A_74] : memref<8192x768xf32, #tpu.memory_space<hbm>> -> memref<8192x768xf32, #tpu.memory_space<hbm>>
    tpu.wait_indirect_dma semaphore(%arg12 : memref<!tpu.dma_semaphore, #tpu.memory_space<semaphore_mem>>) src(%dma_wait3A_75 : memref<8192x768xf32, #tpu.memory_space<hbm>>) dst(%arg10 : memref<64x768xf32, #tpu.memory_space<vmem>>)
    %add3A_76 = arith.constant 0 : i32
    %add3A_77 = arith.addi %add3A_37, %add3A_76 : i32
    %dma_start3A_78 = arith.constant 0 : i32
    %dma_start3A_79 = tpu.memref_slice %arg6[%add3A_77, %dma_start3A_78] : memref<4096x768xf32, #tpu.memory_space<hbm>> -> memref<64x768xf32, #tpu.memory_space<hbm>>
    %dma_start3A_80 = arith.constant 0 : i32
    %dma_start3A_81 = tpu.memref_slice %arg6[%add3A_77, %dma_start3A_80] : memref<4096x768xf32, #tpu.memory_space<hbm>> -> memref<64x768xf32, #tpu.memory_space<hbm>>
    tpu.enqueue_dma source(%arg10 : memref<64x768xf32, #tpu.memory_space<vmem>>) target(%dma_start3A_81 : memref<64x768xf32, #tpu.memory_space<hbm>>) target_semaphore(%arg14 : memref<!tpu.dma_semaphore, #tpu.memory_space<semaphore_mem>>)
    %dma_wait3A_82 = arith.constant 0 : i32
    %dma_wait3A_83 = tpu.memref_slice %arg6[%add3A_68, %dma_wait3A_82] : memref<4096x768xf32, #tpu.memory_space<hbm>> -> memref<64x768xf32, #tpu.memory_space<hbm>>
    %dma_wait3A_84 = arith.constant 0 : i32
    %dma_wait3A_85 = tpu.memref_slice %arg6[%add3A_68, %dma_wait3A_84] : memref<4096x768xf32, #tpu.memory_space<hbm>> -> memref<64x768xf32, #tpu.memory_space<hbm>>
    tpu.wait_dma2 semaphore(%arg13 : memref<!tpu.dma_semaphore, #tpu.memory_space<semaphore_mem>>) src(%arg9 : memref<64x768xf32, #tpu.memory_space<vmem>>) dst(%dma_wait3A_85 : memref<64x768xf32, #tpu.memory_space<hbm>>)
    %dma_wait3A_86 = arith.constant 0 : i32
    %dma_wait3A_87 = tpu.memref_slice %arg6[%add3A_77, %dma_wait3A_86] : memref<4096x768xf32, #tpu.memory_space<hbm>> -> memref<64x768xf32, #tpu.memory_space<hbm>>
    %dma_wait3A_88 = arith.constant 0 : i32
    %dma_wait3A_89 = tpu.memref_slice %arg6[%add3A_77, %dma_wait3A_88] : memref<4096x768xf32, #tpu.memory_space<hbm>> -> memref<64x768xf32, #tpu.memory_space<hbm>>
    tpu.wait_dma2 semaphore(%arg14 : memref<!tpu.dma_semaphore, #tpu.memory_space<semaphore_mem>>) src(%arg10 : memref<64x768xf32, #tpu.memory_space<vmem>>) dst(%dma_wait3A_89 : memref<64x768xf32, #tpu.memory_space<hbm>>)
    return
  }
}

#map = affine_map<(d0, d1) -> (0)>
#map1 = affine_map<(d0, d1) -> (0, 0)>
module attributes {stable_mosaic.version = 14 : i64} {
  func.func @_sc_body(%arg0: i32, %arg1: i32, %arg2: memref<4096xi32, #tpu.memory_space<hbm>>, %arg3: memref<8192xi32, #tpu.memory_space<hbm>>, %arg4: memref<8192x768xf32, #tpu.memory_space<hbm>>, %arg5: memref<8192x768xf32, #tpu.memory_space<hbm>>, %arg6: memref<4096x768xf32, #tpu.memory_space<hbm>>, %arg7: memref<64xi32, #tpu.memory_space<vmem>>, %arg8: memref<64xi32, #tpu.memory_space<vmem>>, %arg9: memref<64x768xf32, #tpu.memory_space<vmem>>, %arg10: memref<64x768xf32, #tpu.memory_space<vmem>>, %arg11: memref<!tpu.dma_semaphore, #tpu.memory_space<semaphore_mem>>, %arg12: memref<!tpu.dma_semaphore, #tpu.memory_space<semaphore_mem>>, %arg13: memref<!tpu.dma_semaphore, #tpu.memory_space<semaphore_mem>>, %arg14: memref<!tpu.dma_semaphore, #tpu.memory_space<semaphore_mem>>) attributes {dimension_semantics = [#tpu.dimension_semantics<core_parallel>, #tpu.dimension_semantics<subcore_parallel>], iteration_bounds = array<i64: 2, 16>, scalar_prefetch = 0 : i64, scratch_operands = 8 : i64, tpu.core_type = #tpu.core_type<sc_vector_subcore>, window_params = [{transform_indices = #map}, {transform_indices = #map}, {transform_indices = #map1}, {transform_indices = #map1}, {transform_indices = #map1}]} {
    %mul3A = arith.constant 2 : i32
    %mul3A_0 = arith.muli %arg1, %mul3A : i32
    %add3A = arith.addi %mul3A_0, %arg0 : i32
    %jit3A = arith.constant 8 : i32
    %div3A = arith.divsi %add3A, %jit3A : i32
    %sign3A = arith.constant 0 : i32
    %sign3A_1 = arith.cmpi sgt, %add3A, %sign3A : i32
    %sign3A_2 = arith.extui %sign3A_1 : i1 to i32
    %sign3A_3 = arith.constant 0 : i32
    %sign3A_4 = arith.cmpi slt, %add3A, %sign3A_3 : i32
    %sign3A_5 = arith.extui %sign3A_4 : i1 to i32
    %sign3A_6 = arith.subi %sign3A_2, %sign3A_5 : i32
    %sign3A_7 = arith.constant 0 : i32
    %sign3A_8 = arith.cmpi sgt, %jit3A, %sign3A_7 : i32
    %sign3A_9 = arith.extui %sign3A_8 : i1 to i32
    %sign3A_10 = arith.constant 0 : i32
    %sign3A_11 = arith.cmpi slt, %jit3A, %sign3A_10 : i32
    %sign3A_12 = arith.extui %sign3A_11 : i1 to i32
    %sign3A_13 = arith.subi %sign3A_9, %sign3A_12 : i32
    %ne3A = arith.cmpi ne, %sign3A_6, %sign3A_13 : i32
    %rem3A = arith.remsi %add3A, %jit3A : i32
    %ne3A_14 = arith.constant 0 : i32
    %ne3A_15 = arith.cmpi ne, %rem3A, %ne3A_14 : i32
    %and3A = arith.andi %ne3A, %ne3A_15 : i1
    %sub3A = arith.constant 1 : i32
    %sub3A_16 = arith.subi %div3A, %sub3A : i32
    %select_n3A = arith.select %and3A, %sub3A_16, %div3A : i32
    %jit3A_17 = arith.constant 8 : i32
    %eq3A = arith.constant 0 : i32
    %eq3A_18 = arith.cmpi eq, %jit3A_17, %eq3A : i32
    %jit3A_19 = arith.constant 1 : i32
    %select_n3A_20 = arith.select %eq3A_18, %jit3A_19, %jit3A_17 : i32
    %rem3A_21 = arith.remsi %add3A, %select_n3A_20 : i32
    %ne3A_22 = arith.constant 0 : i32
    %ne3A_23 = arith.cmpi ne, %rem3A_21, %ne3A_22 : i32
    %lt3A = arith.constant 0 : i32
    %lt3A_24 = arith.cmpi slt, %rem3A_21, %lt3A : i32
    %lt3A_25 = arith.constant 0 : i32
    %lt3A_26 = arith.cmpi slt, %select_n3A_20, %lt3A_25 : i32
    %ne3A_27 = arith.xori %lt3A_24, %lt3A_26 : i1
    %and3A_28 = arith.andi %ne3A_27, %ne3A_23 : i1
    %add3A_29 = arith.addi %rem3A_21, %select_n3A_20 : i32
    %select_n3A_30 = arith.select %and3A_28, %add3A_29, %rem3A_21 : i32
    %mul3A_31 = arith.constant 1024 : i32
    %mul3A_32 = arith.muli %select_n3A, %mul3A_31 : i32
    %mul3A_33 = arith.constant 64 : i32
    %mul3A_34 = arith.muli %select_n3A_30, %mul3A_33 : i32
    %add3A_35 = arith.addi %mul3A_32, %mul3A_34 : i32
    %add3A_36 = arith.constant 512 : i32
    %add3A_37 = arith.addi %add3A_35, %add3A_36 : i32
    %add3A_38 = arith.constant 0 : i32
    %add3A_39 = arith.addi %add3A_38, %select_n3A : i32
    %mul3A_40 = arith.constant 512 : i32
    %mul3A_41 = arith.muli %add3A_39, %mul3A_40 : i32
    %mul3A_42 = arith.constant 64 : i32
    %mul3A_43 = arith.muli %select_n3A_30, %mul3A_42 : i32
    %add3A_44 = arith.addi %mul3A_41, %mul3A_43 : i32
    %add3A_45 = arith.constant 0 : i32
    %add3A_46 = arith.addi %add3A_45, %select_n3A : i32
    %mul3A_47 = arith.constant 1024 : i32
    %mul3A_48 = arith.muli %add3A_46, %mul3A_47 : i32
    %mul3A_49 = arith.constant 64 : i32
    %mul3A_50 = arith.muli %select_n3A_30, %mul3A_49 : i32
    %add3A_51 = arith.addi %mul3A_48, %mul3A_50 : i32
    %dma_start3A = tpu.memref_slice %arg2[%add3A_44] : memref<4096xi32, #tpu.memory_space<hbm>> -> memref<64xi32, #tpu.memory_space<hbm>>
    %dma_start3A_52 = tpu.memref_slice %arg2[%add3A_44] : memref<4096xi32, #tpu.memory_space<hbm>> -> memref<64xi32, #tpu.memory_space<hbm>>
    tpu.enqueue_dma source(%dma_start3A_52 : memref<64xi32, #tpu.memory_space<hbm>>) target(%arg7 : memref<64xi32, #tpu.memory_space<vmem>>) target_semaphore(%arg13 : memref<!tpu.dma_semaphore, #tpu.memory_space<semaphore_mem>>)
    %dma_start3A_53 = tpu.memref_slice %arg3[%add3A_51] : memref<8192xi32, #tpu.memory_space<hbm>> -> memref<64xi32, #tpu.memory_space<hbm>>
    %dma_start3A_54 = tpu.memref_slice %arg3[%add3A_51] : memref<8192xi32, #tpu.memory_space<hbm>> -> memref<64xi32, #tpu.memory_space<hbm>>
    tpu.enqueue_dma source(%dma_start3A_54 : memref<64xi32, #tpu.memory_space<hbm>>) target(%arg8 : memref<64xi32, #tpu.memory_space<vmem>>) target_semaphore(%arg14 : memref<!tpu.dma_semaphore, #tpu.memory_space<semaphore_mem>>)
    %dma_wait3A = tpu.memref_slice %arg2[%add3A_44] : memref<4096xi32, #tpu.memory_space<hbm>> -> memref<64xi32, #tpu.memory_space<hbm>>
    %dma_wait3A_55 = tpu.memref_slice %arg2[%add3A_44] : memref<4096xi32, #tpu.memory_space<hbm>> -> memref<64xi32, #tpu.memory_space<hbm>>
    tpu.wait_dma2 semaphore(%arg13 : memref<!tpu.dma_semaphore, #tpu.memory_space<semaphore_mem>>) src(%dma_wait3A_55 : memref<64xi32, #tpu.memory_space<hbm>>) dst(%arg7 : memref<64xi32, #tpu.memory_space<vmem>>)
    %dma_wait3A_56 = tpu.memref_slice %arg3[%add3A_51] : memref<8192xi32, #tpu.memory_space<hbm>> -> memref<64xi32, #tpu.memory_space<hbm>>
    %dma_wait3A_57 = tpu.memref_slice %arg3[%add3A_51] : memref<8192xi32, #tpu.memory_space<hbm>> -> memref<64xi32, #tpu.memory_space<hbm>>
    tpu.wait_dma2 semaphore(%arg14 : memref<!tpu.dma_semaphore, #tpu.memory_space<semaphore_mem>>) src(%dma_wait3A_57 : memref<64xi32, #tpu.memory_space<hbm>>) dst(%arg8 : memref<64xi32, #tpu.memory_space<vmem>>)
    %dma_start3A_58 = arith.constant 0 : i32
    %dma_start3A_59 = arith.constant 0 : i32
    %dma_start3A_60 = tpu.memref_slice %arg4[%dma_start3A_58, %dma_start3A_59] : memref<8192x768xf32, #tpu.memory_space<hbm>> -> memref<8192x768xf32, #tpu.memory_space<hbm>>
    tpu.enqueue_indirect_dma source(%dma_start3A_60 : memref<8192x768xf32, #tpu.memory_space<hbm>>) target(%arg9 : memref<64x768xf32, #tpu.memory_space<vmem>>) offsets(%arg7 : memref<64xi32, #tpu.memory_space<vmem>>) semaphore(%arg11 : memref<!tpu.dma_semaphore, #tpu.memory_space<semaphore_mem>>)
    %dma_start3A_61 = arith.constant 0 : i32
    %dma_start3A_62 = arith.constant 0 : i32
    %dma_start3A_63 = tpu.memref_slice %arg5[%dma_start3A_61, %dma_start3A_62] : memref<8192x768xf32, #tpu.memory_space<hbm>> -> memref<8192x768xf32, #tpu.memory_space<hbm>>
    tpu.enqueue_indirect_dma source(%dma_start3A_63 : memref<8192x768xf32, #tpu.memory_space<hbm>>) target(%arg10 : memref<64x768xf32, #tpu.memory_space<vmem>>) offsets(%arg8 : memref<64xi32, #tpu.memory_space<vmem>>) semaphore(%arg12 : memref<!tpu.dma_semaphore, #tpu.memory_space<semaphore_mem>>)
    %dma_wait3A_64 = arith.constant 0 : i32
    %dma_wait3A_65 = arith.constant 0 : i32
    %dma_wait3A_66 = tpu.memref_slice %arg4[%dma_wait3A_64, %dma_wait3A_65] : memref<8192x768xf32, #tpu.memory_space<hbm>> -> memref<8192x768xf32, #tpu.memory_space<hbm>>
    tpu.wait_indirect_dma semaphore(%arg11 : memref<!tpu.dma_semaphore, #tpu.memory_space<semaphore_mem>>) src(%dma_wait3A_66 : memref<8192x768xf32, #tpu.memory_space<hbm>>) dst(%arg9 : memref<64x768xf32, #tpu.memory_space<vmem>>)
    %add3A_67 = arith.constant 0 : i32
    %add3A_68 = arith.addi %add3A_35, %add3A_67 : i32
    %dma_start3A_69 = arith.constant 0 : i32
    %dma_start3A_70 = tpu.memref_slice %arg6[%add3A_68, %dma_start3A_69] : memref<4096x768xf32, #tpu.memory_space<hbm>> -> memref<64x768xf32, #tpu.memory_space<hbm>>
    %dma_start3A_71 = arith.constant 0 : i32
    %dma_start3A_72 = tpu.memref_slice %arg6[%add3A_68, %dma_start3A_71] : memref<4096x768xf32, #tpu.memory_space<hbm>> -> memref<64x768xf32, #tpu.memory_space<hbm>>
    tpu.enqueue_dma source(%arg9 : memref<64x768xf32, #tpu.memory_space<vmem>>) target(%dma_start3A_72 : memref<64x768xf32, #tpu.memory_space<hbm>>) target_semaphore(%arg13 : memref<!tpu.dma_semaphore, #tpu.memory_space<semaphore_mem>>)
    %dma_wait3A_73 = arith.constant 0 : i32
    %dma_wait3A_74 = arith.constant 0 : i32
    %dma_wait3A_75 = tpu.memref_slice %arg5[%dma_wait3A_73, %dma_wait3A_74] : memref<8192x768xf32, #tpu.memory_space<hbm>> -> memref<8192x768xf32, #tpu.memory_space<hbm>>
    tpu.wait_indirect_dma semaphore(%arg12 : memref<!tpu.dma_semaphore, #tpu.memory_space<semaphore_mem>>) src(%dma_wait3A_75 : memref<8192x768xf32, #tpu.memory_space<hbm>>) dst(%arg10 : memref<64x768xf32, #tpu.memory_space<vmem>>)
    %add3A_76 = arith.constant 0 : i32
    %add3A_77 = arith.addi %add3A_37, %add3A_76 : i32
    %dma_start3A_78 = arith.constant 0 : i32
    %dma_start3A_79 = tpu.memref_slice %arg6[%add3A_77, %dma_start3A_78] : memref<4096x768xf32, #tpu.memory_space<hbm>> -> memref<64x768xf32, #tpu.memory_space<hbm>>
    %dma_start3A_80 = arith.constant 0 : i32
    %dma_start3A_81 = tpu.memref_slice %arg6[%add3A_77, %dma_start3A_80] : memref<4096x768xf32, #tpu.memory_space<hbm>> -> memref<64x768xf32, #tpu.memory_space<hbm>>
    tpu.enqueue_dma source(%arg10 : memref<64x768xf32, #tpu.memory_space<vmem>>) target(%dma_start3A_81 : memref<64x768xf32, #tpu.memory_space<hbm>>) target_semaphore(%arg14 : memref<!tpu.dma_semaphore, #tpu.memory_space<semaphore_mem>>)
    %dma_wait3A_82 = arith.constant 0 : i32
    %dma_wait3A_83 = tpu.memref_slice %arg6[%add3A_68, %dma_wait3A_82] : memref<4096x768xf32, #tpu.memory_space<hbm>> -> memref<64x768xf32, #tpu.memory_space<hbm>>
    %dma_wait3A_84 = arith.constant 0 : i32
    %dma_wait3A_85 = tpu.memref_slice %arg6[%add3A_68, %dma_wait3A_84] : memref<4096x768xf32, #tpu.memory_space<hbm>> -> memref<64x768xf32, #tpu.memory_space<hbm>>
    tpu.wait_dma2 semaphore(%arg13 : memref<!tpu.dma_semaphore, #tpu.memory_space<semaphore_mem>>) src(%arg9 : memref<64x768xf32, #tpu.memory_space<vmem>>) dst(%dma_wait3A_85 : memref<64x768xf32, #tpu.memory_space<hbm>>)
    %dma_wait3A_86 = arith.constant 0 : i32
    %dma_wait3A_87 = tpu.memref_slice %arg6[%add3A_77, %dma_wait3A_86] : memref<4096x768xf32, #tpu.memory_space<hbm>> -> memref<64x768xf32, #tpu.memory_space<hbm>>
    %dma_wait3A_88 = arith.constant 0 : i32
    %dma_wait3A_89 = tpu.memref_slice %arg6[%add3A_77, %dma_wait3A_88] : memref<4096x768xf32, #tpu.memory_space<hbm>> -> memref<64x768xf32, #tpu.memory_space<hbm>>
    tpu.wait_dma2 semaphore(%arg14 : memref<!tpu.dma_semaphore, #tpu.memory_space<semaphore_mem>>) src(%arg10 : memref<64x768xf32, #tpu.memory_space<vmem>>) dst(%dma_wait3A_89 : memref<64x768xf32, #tpu.memory_space<hbm>>)
    return
  }
}

module attributes {stable_mosaic.version = 14 : i64} {
  func.func @_tc_zero_body(%arg0: i32, %arg1: memref<1x1024x768xf32, #tpu.memory_space<vmem>>) attributes {dimension_semantics = [#tpu.dimension_semantics<arbitrary>], iteration_bounds = array<i64: 8>, scalar_prefetch = 0 : i64, scratch_operands = 0 : i64, tpu.core_type = #tpu.core_type<tc>, window_params = [{transform_indices = @transform_0, window_bounds = array<i64: 1, 1024, 768>}]} {
    %broadcast_in_dim3A = arith.constant 0.000000e+00 : f32
    %broadcast_in_dim3A_0 = vector.broadcast %broadcast_in_dim3A : f32 to vector<1x1024x768xf32>
    %swap3A = arith.constant 0 : index
    %swap3A_1 = arith.constant 0 : index
    %swap3A_2 = arith.constant 0 : index
    %swap3A_3 = vector.load %arg1[%swap3A, %swap3A_1, %swap3A_2] : memref<1x1024x768xf32, #tpu.memory_space<vmem>>, vector<1x1024x768xf32>
    tpu.vector_store %arg1[%swap3A, %swap3A_1, %swap3A_2], %broadcast_in_dim3A_0 {strides = array<i32>} : memref<1x1024x768xf32, #tpu.memory_space<vmem>>, vector<1x1024x768xf32>,
    return
  }
  func.func @transform_0(%arg0: i32) -> (i32, i32, i32) {
    %c1_i32 = arith.constant 1 : i32
    %c0_i32 = arith.constant 0 : i32
    %c0_i32_0 = arith.constant 0 : i32
    return %arg0, %c1_i32, %c0_i32 : i32, i32, i32
  }
}

module attributes {stable_mosaic.version = 14 : i64} {
  func.func @_tc_body(%arg0: i32, %arg1: memref<512x16xf32, #tpu.memory_space<vmem>>, %arg2: memref<512x16xi32, #tpu.memory_space<vmem>>, %arg3: memref<1024x768xf32, #tpu.memory_space<vmem>>, %arg4: memref<768x32xf32, #tpu.memory_space<vmem>>, %arg5: memref<2x768xf32, #tpu.memory_space<vmem>>, %arg6: memref<8x2048x768xf32, #tpu.memory_space<any>>, %arg7: memref<1x1024x768xf32, #tpu.memory_space<vmem>>) attributes {dimension_semantics = [#tpu.dimension_semantics<arbitrary>], iteration_bounds = array<i64: 4>, scalar_prefetch = 0 : i64, scratch_operands = 0 : i64, tpu.core_type = #tpu.core_type<tc>, window_params = [{transform_indices = @transform_0, window_bounds = array<i64: 512, 16>}, {transform_indices = @transform_1, window_bounds = array<i64: 512, 16>}, {transform_indices = @transform_2, window_bounds = array<i64: 1024, 768>}, {pipeline_mode = #tpu.pipeline_mode<synchronous>, transform_indices = @transform_3, window_bounds = array<i64: 768, 32>}, {pipeline_mode = #tpu.pipeline_mode<synchronous>, transform_indices = @transform_4, window_bounds = array<i64: 2, 768>}, {}, {transform_indices = @transform_6, window_bounds = array<i64: 1, 1024, 768>}]} {
    %get3A = arith.constant 0 : index
    %get3A_0 = arith.constant 0 : index
    %get3A_1 = vector.load %arg1[%get3A, %get3A_0] : memref<512x16xf32, #tpu.memory_space<vmem>>, vector<512x16xf32>
    %get3A_2 = arith.constant 0 : index
    %get3A_3 = arith.constant 0 : index
    %get3A_4 = vector.load %arg2[%get3A_2, %get3A_3] : memref<512x16xi32, #tpu.memory_space<vmem>>, vector<512x1xi32>
    %get3A_5 = arith.constant 0 : index
    %get3A_6 = arith.constant 8 : index
    %get3A_7 = vector.load %arg2[%get3A_5, %get3A_6] : memref<512x16xi32, #tpu.memory_space<vmem>>, vector<512x1xi32>
    %iota3A = tpu.iota {dimensions = array<i32: 1>} : vector<512x512xi32>
    %eq3A = vector.broadcast %get3A_4 : vector<512x1xi32> to vector<512x512xi32>
    %eq3A_8 = arith.cmpi eq, %eq3A, %iota3A : vector<512x512xi32>
    %convert_element_type3A = arith.extui %eq3A_8 : vector<512x512xi1> to vector<512x512xi32>
    %convert_element_type3A_9 = arith.sitofp %convert_element_type3A : vector<512x512xi32> to vector<512x512xf32>
    %dot_general3A = arith.constant dense<0.000000e+00> : vector<512x16xf32>
    %dot_general3A_10 = tpu.matmul %convert_element_type3A_9, %get3A_1, %dot_general3A {dimension_numbers = #tpu.dot_dimension_numbers<[1], [0], [0], [1], [0, 0, 1, 1], [], []>, transpose_lhs_hint = false} : vector<512x512xf32>, vector<512x16xf32>, vector<512x16xf32> -> vector<512x16xf32>
    %eq3A_11 = vector.broadcast %get3A_7 : vector<512x1xi32> to vector<512x512xi32>
    %eq3A_12 = arith.cmpi eq, %eq3A_11, %iota3A : vector<512x512xi32>
    %convert_element_type3A_13 = arith.extui %eq3A_12 : vector<512x512xi1> to vector<512x512xi32>
    %convert_element_type3A_14 = arith.sitofp %convert_element_type3A_13 : vector<512x512xi32> to vector<512x512xf32>
    %dot_general3A_15 = arith.constant dense<0.000000e+00> : vector<512x16xf32>
    %dot_general3A_16 = tpu.matmul %convert_element_type3A_14, %get3A_1, %dot_general3A_15 {dimension_numbers = #tpu.dot_dimension_numbers<[1], [0], [0], [1], [0, 0, 1, 1], [], []>, transpose_lhs_hint = false} : vector<512x512xf32>, vector<512x16xf32>, vector<512x16xf32> -> vector<512x16xf32>
    %concatenate3A = tpu.concatenate %get3A_1, %dot_general3A_10 in 0 : vector<512x16xf32>, vector<512x16xf32> -> vector<1024x16xf32>
    %concatenate3A_17 = tpu.concatenate %get3A_1, %dot_general3A_16 in 0 : vector<512x16xf32>, vector<512x16xf32> -> vector<1024x16xf32>
    %broadcast_in_dim3A = arith.constant 1.000000e+00 : f32
    %broadcast_in_dim3A_18 = vector.broadcast %broadcast_in_dim3A : f32 to vector<512x1xf32>
    %eq3A_19 = arith.cmpi eq, %get3A_4, %get3A_7 : vector<512x1xi32>
    %convert_element_type3A_20 = arith.extui %eq3A_19 : vector<512x1xi1> to vector<512x1xi32>
    %convert_element_type3A_21 = arith.sitofp %convert_element_type3A_20 : vector<512x1xi32> to vector<512x1xf32>
    %concatenate3A_22 = tpu.concatenate %broadcast_in_dim3A_18, %convert_element_type3A_21 in 0 : vector<512x1xf32>, vector<512x1xf32> -> vector<1024x1xf32>
    %get3A_23 = arith.constant 0 : index
    %get3A_24 = arith.constant 0 : index
    %get3A_25 = vector.load %arg4[%get3A_23, %get3A_24] : memref<768x32xf32, #tpu.memory_space<vmem>>, vector<768x32xf32>
    %slice3A = vector.extract_strided_slice %get3A_25 {offsets = [0, 0], sizes = [768, 16], strides = [1, 1]} : vector<768x32xf32> to vector<768x16xf32>
    %dot_general3A_26 = arith.constant dense<0.000000e+00> : vector<1024x768xf32>
    %dot_general3A_27 = tpu.matmul %concatenate3A, %slice3A, %dot_general3A_26 {dimension_numbers = #tpu.dot_dimension_numbers<[1], [1], [0], [0], [0, 0, 1, 0], [], []>, transpose_lhs_hint = false} : vector<1024x16xf32>, vector<768x16xf32>, vector<1024x768xf32> -> vector<1024x768xf32>
    %slice3A_28 = vector.extract_strided_slice %get3A_25 {offsets = [0, 16], sizes = [768, 16], strides = [1, 1]} : vector<768x32xf32> to vector<768x16xf32>
    %dot_general3A_29 = arith.constant dense<0.000000e+00> : vector<1024x768xf32>
    %dot_general3A_30 = tpu.matmul %concatenate3A_17, %slice3A_28, %dot_general3A_29 {dimension_numbers = #tpu.dot_dimension_numbers<[1], [1], [0], [0], [0, 0, 1, 0], [], []>, transpose_lhs_hint = false} : vector<1024x16xf32>, vector<768x16xf32>, vector<1024x768xf32> -> vector<1024x768xf32>
    %add3A = arith.addf %dot_general3A_27, %dot_general3A_30 : vector<1024x768xf32>
    %get3A_31 = arith.constant 0 : index
    %get3A_32 = arith.constant 0 : index
    %get3A_33 = vector.load %arg5[%get3A_31, %get3A_32] : memref<2x768xf32, #tpu.memory_space<vmem>>, vector<1x768xf32>
    %get3A_34 = arith.constant 1 : index
    %get3A_35 = arith.constant 0 : index
    %get3A_36 = vector.load %arg5[%get3A_34, %get3A_35] : memref<2x768xf32, #tpu.memory_space<vmem>>, vector<1x768xf32>
    %sub3A = arith.subf %get3A_36, %get3A_33 : vector<1x768xf32>
    %mul3A = vector.broadcast %concatenate3A_22 : vector<1024x1xf32> to vector<1024x768xf32>
    %mul3A_37 = vector.broadcast %sub3A : vector<1x768xf32> to vector<1024x768xf32>
    %mul3A_38 = arith.mulf %mul3A, %mul3A_37 : vector<1024x768xf32>
    %add3A_39 = vector.broadcast %get3A_33 : vector<1x768xf32> to vector<1024x768xf32>
    %add3A_40 = arith.addf %add3A_39, %mul3A_38 : vector<1024x768xf32>
    %get3A_41 = arith.constant 0 : index
    %get3A_42 = arith.constant 0 : index
    %get3A_43 = vector.load %arg3[%get3A_41, %get3A_42] : memref<1024x768xf32, #tpu.memory_space<vmem>>, vector<1024x768xf32>
    %add3A_44 = arith.addf %get3A_43, %add3A : vector<1024x768xf32>
    %add3A_45 = arith.addf %add3A_44, %add3A_40 : vector<1024x768xf32>
    %swap3A = arith.constant 0 : index
    %swap3A_46 = arith.constant 0 : index
    %swap3A_47 = arith.constant 0 : index
    %swap3A_48 = vector.load %arg7[%swap3A, %swap3A_46, %swap3A_47] : memref<1x1024x768xf32, #tpu.memory_space<vmem>>, vector<1x1024x768xf32>
    %swap3A_49 = vector.shape_cast %swap3A_48 : vector<1x1024x768xf32> to vector<1024x768xf32>
    %swap3A_50 = vector.shape_cast %add3A_45 : vector<1024x768xf32> to vector<1x1024x768xf32>
    tpu.vector_store %arg7[%swap3A, %swap3A_46, %swap3A_47], %swap3A_50 {strides = array<i32>} : memref<1x1024x768xf32, #tpu.memory_space<vmem>>, vector<1x1024x768xf32>,
    return
  }
  func.func @transform_0(%arg0: i32) -> (i32, i32) {
    %add3A = arith.constant 4 : i32
    %add3A_0 = arith.addi %arg0, %add3A : i32
    %c0_i32 = arith.constant 0 : i32
    %c0_i32_1 = arith.constant 0 : i32
    return %add3A_0, %c0_i32 : i32, i32
  }
  func.func @transform_1(%arg0: i32) -> (i32, i32) {
    %add3A = arith.constant 4 : i32
    %add3A_0 = arith.addi %arg0, %add3A : i32
    %c0_i32 = arith.constant 0 : i32
    %c0_i32_1 = arith.constant 0 : i32
    return %add3A_0, %c0_i32 : i32, i32
  }
  func.func @transform_2(%arg0: i32) -> (i32, i32) {
    %c0_i32 = arith.constant 0 : i32
    %c0_i32_0 = arith.constant 0 : i32
    return %arg0, %c0_i32 : i32, i32
  }
  func.func @transform_3(%arg0: i32) -> (i32, i32) {
    %c0_i32 = arith.constant 0 : i32
    %c0_i32_0 = arith.constant 0 : i32
    %c0_i32_1 = arith.constant 0 : i32
    return %c0_i32, %c0_i32_0 : i32, i32
  }
  func.func @transform_4(%arg0: i32) -> (i32, i32) {
    %c0_i32 = arith.constant 0 : i32
    %c0_i32_0 = arith.constant 0 : i32
    %c0_i32_1 = arith.constant 0 : i32
    return %c0_i32, %c0_i32_0 : i32, i32
  }
  func.func @transform_6(%arg0: i32) -> (i32, i32, i32) {
    %add3A = arith.constant 4 : i32
    %add3A_0 = arith.addi %arg0, %add3A : i32
    %c0_i32 = arith.constant 0 : i32
    %c0_i32_1 = arith.constant 0 : i32
    %c0_i32_2 = arith.constant 0 : i32
    return %add3A_0, %c0_i32, %c0_i32_1 : i32, i32, i32
  }
}

module attributes {stable_mosaic.version = 14 : i64} {
  func.func @_tc_body(%arg0: i32, %arg1: memref<512x16xf32, #tpu.memory_space<vmem>>, %arg2: memref<512x16xi32, #tpu.memory_space<vmem>>, %arg3: memref<1024x768xf32, #tpu.memory_space<vmem>>, %arg4: memref<768x32xf32, #tpu.memory_space<vmem>>, %arg5: memref<2x768xf32, #tpu.memory_space<vmem>>, %arg6: memref<8x2048x768xf32, #tpu.memory_space<any>>, %arg7: memref<1x1024x768xf32, #tpu.memory_space<vmem>>) attributes {dimension_semantics = [#tpu.dimension_semantics<arbitrary>], iteration_bounds = array<i64: 4>, scalar_prefetch = 0 : i64, scratch_operands = 0 : i64, tpu.core_type = #tpu.core_type<tc>, window_params = [{transform_indices = @transform_0, window_bounds = array<i64: 512, 16>}, {transform_indices = @transform_1, window_bounds = array<i64: 512, 16>}, {transform_indices = @transform_2, window_bounds = array<i64: 1024, 768>}, {pipeline_mode = #tpu.pipeline_mode<synchronous>, transform_indices = @transform_3, window_bounds = array<i64: 768, 32>}, {pipeline_mode = #tpu.pipeline_mode<synchronous>, transform_indices = @transform_4, window_bounds = array<i64: 2, 768>}, {}, {transform_indices = @transform_6, window_bounds = array<i64: 1, 1024, 768>}]} {
    %get3A = arith.constant 0 : index
    %get3A_0 = arith.constant 0 : index
    %get3A_1 = vector.load %arg1[%get3A, %get3A_0] : memref<512x16xf32, #tpu.memory_space<vmem>>, vector<512x16xf32>
    %get3A_2 = arith.constant 0 : index
    %get3A_3 = arith.constant 0 : index
    %get3A_4 = vector.load %arg2[%get3A_2, %get3A_3] : memref<512x16xi32, #tpu.memory_space<vmem>>, vector<512x1xi32>
    %get3A_5 = arith.constant 0 : index
    %get3A_6 = arith.constant 8 : index
    %get3A_7 = vector.load %arg2[%get3A_5, %get3A_6] : memref<512x16xi32, #tpu.memory_space<vmem>>, vector<512x1xi32>
    %iota3A = tpu.iota {dimensions = array<i32: 1>} : vector<512x512xi32>
    %eq3A = vector.broadcast %get3A_4 : vector<512x1xi32> to vector<512x512xi32>
    %eq3A_8 = arith.cmpi eq, %eq3A, %iota3A : vector<512x512xi32>
    %convert_element_type3A = arith.extui %eq3A_8 : vector<512x512xi1> to vector<512x512xi32>
    %convert_element_type3A_9 = arith.sitofp %convert_element_type3A : vector<512x512xi32> to vector<512x512xf32>
    %dot_general3A = arith.constant dense<0.000000e+00> : vector<512x16xf32>
    %dot_general3A_10 = tpu.matmul %convert_element_type3A_9, %get3A_1, %dot_general3A {dimension_numbers = #tpu.dot_dimension_numbers<[1], [0], [0], [1], [0, 0, 1, 1], [], []>, transpose_lhs_hint = false} : vector<512x512xf32>, vector<512x16xf32>, vector<512x16xf32> -> vector<512x16xf32>
    %eq3A_11 = vector.broadcast %get3A_7 : vector<512x1xi32> to vector<512x512xi32>
    %eq3A_12 = arith.cmpi eq, %eq3A_11, %iota3A : vector<512x512xi32>
    %convert_element_type3A_13 = arith.extui %eq3A_12 : vector<512x512xi1> to vector<512x512xi32>
    %convert_element_type3A_14 = arith.sitofp %convert_element_type3A_13 : vector<512x512xi32> to vector<512x512xf32>
    %dot_general3A_15 = arith.constant dense<0.000000e+00> : vector<512x16xf32>
    %dot_general3A_16 = tpu.matmul %convert_element_type3A_14, %get3A_1, %dot_general3A_15 {dimension_numbers = #tpu.dot_dimension_numbers<[1], [0], [0], [1], [0, 0, 1, 1], [], []>, transpose_lhs_hint = false} : vector<512x512xf32>, vector<512x16xf32>, vector<512x16xf32> -> vector<512x16xf32>
    %concatenate3A = tpu.concatenate %get3A_1, %dot_general3A_10 in 0 : vector<512x16xf32>, vector<512x16xf32> -> vector<1024x16xf32>
    %concatenate3A_17 = tpu.concatenate %get3A_1, %dot_general3A_16 in 0 : vector<512x16xf32>, vector<512x16xf32> -> vector<1024x16xf32>
    %broadcast_in_dim3A = arith.constant 1.000000e+00 : f32
    %broadcast_in_dim3A_18 = vector.broadcast %broadcast_in_dim3A : f32 to vector<512x1xf32>
    %eq3A_19 = arith.cmpi eq, %get3A_4, %get3A_7 : vector<512x1xi32>
    %convert_element_type3A_20 = arith.extui %eq3A_19 : vector<512x1xi1> to vector<512x1xi32>
    %convert_element_type3A_21 = arith.sitofp %convert_element_type3A_20 : vector<512x1xi32> to vector<512x1xf32>
    %concatenate3A_22 = tpu.concatenate %broadcast_in_dim3A_18, %convert_element_type3A_21 in 0 : vector<512x1xf32>, vector<512x1xf32> -> vector<1024x1xf32>
    %get3A_23 = arith.constant 0 : index
    %get3A_24 = arith.constant 0 : index
    %get3A_25 = vector.load %arg4[%get3A_23, %get3A_24] : memref<768x32xf32, #tpu.memory_space<vmem>>, vector<768x32xf32>
    %slice3A = vector.extract_strided_slice %get3A_25 {offsets = [0, 0], sizes = [768, 16], strides = [1, 1]} : vector<768x32xf32> to vector<768x16xf32>
    %dot_general3A_26 = arith.constant dense<0.000000e+00> : vector<1024x768xf32>
    %dot_general3A_27 = tpu.matmul %concatenate3A, %slice3A, %dot_general3A_26 {dimension_numbers = #tpu.dot_dimension_numbers<[1], [1], [0], [0], [0, 0, 1, 0], [], []>, transpose_lhs_hint = false} : vector<1024x16xf32>, vector<768x16xf32>, vector<1024x768xf32> -> vector<1024x768xf32>
    %slice3A_28 = vector.extract_strided_slice %get3A_25 {offsets = [0, 16], sizes = [768, 16], strides = [1, 1]} : vector<768x32xf32> to vector<768x16xf32>
    %dot_general3A_29 = arith.constant dense<0.000000e+00> : vector<1024x768xf32>
    %dot_general3A_30 = tpu.matmul %concatenate3A_17, %slice3A_28, %dot_general3A_29 {dimension_numbers = #tpu.dot_dimension_numbers<[1], [1], [0], [0], [0, 0, 1, 0], [], []>, transpose_lhs_hint = false} : vector<1024x16xf32>, vector<768x16xf32>, vector<1024x768xf32> -> vector<1024x768xf32>
    %add3A = arith.addf %dot_general3A_27, %dot_general3A_30 : vector<1024x768xf32>
    %get3A_31 = arith.constant 0 : index
    %get3A_32 = arith.constant 0 : index
    %get3A_33 = vector.load %arg5[%get3A_31, %get3A_32] : memref<2x768xf32, #tpu.memory_space<vmem>>, vector<1x768xf32>
    %get3A_34 = arith.constant 1 : index
    %get3A_35 = arith.constant 0 : index
    %get3A_36 = vector.load %arg5[%get3A_34, %get3A_35] : memref<2x768xf32, #tpu.memory_space<vmem>>, vector<1x768xf32>
    %sub3A = arith.subf %get3A_36, %get3A_33 : vector<1x768xf32>
    %mul3A = vector.broadcast %concatenate3A_22 : vector<1024x1xf32> to vector<1024x768xf32>
    %mul3A_37 = vector.broadcast %sub3A : vector<1x768xf32> to vector<1024x768xf32>
    %mul3A_38 = arith.mulf %mul3A, %mul3A_37 : vector<1024x768xf32>
    %add3A_39 = vector.broadcast %get3A_33 : vector<1x768xf32> to vector<1024x768xf32>
    %add3A_40 = arith.addf %add3A_39, %mul3A_38 : vector<1024x768xf32>
    %get3A_41 = arith.constant 0 : index
    %get3A_42 = arith.constant 0 : index
    %get3A_43 = vector.load %arg3[%get3A_41, %get3A_42] : memref<1024x768xf32, #tpu.memory_space<vmem>>, vector<1024x768xf32>
    %add3A_44 = arith.addf %get3A_43, %add3A : vector<1024x768xf32>
    %add3A_45 = arith.addf %add3A_44, %add3A_40 : vector<1024x768xf32>
    %swap3A = arith.constant 0 : index
    %swap3A_46 = arith.constant 0 : index
    %swap3A_47 = arith.constant 0 : index
    %swap3A_48 = vector.load %arg7[%swap3A, %swap3A_46, %swap3A_47] : memref<1x1024x768xf32, #tpu.memory_space<vmem>>, vector<1x1024x768xf32>
    %swap3A_49 = vector.shape_cast %swap3A_48 : vector<1x1024x768xf32> to vector<1024x768xf32>
    %swap3A_50 = vector.shape_cast %add3A_45 : vector<1024x768xf32> to vector<1x1024x768xf32>
    tpu.vector_store %arg7[%swap3A, %swap3A_46, %swap3A_47], %swap3A_50 {strides = array<i32>} : memref<1x1024x768xf32, #tpu.memory_space<vmem>>, vector<1x1024x768xf32>,
    return
  }
  func.func @transform_0(%arg0: i32) -> (i32, i32) {
    %add3A = arith.constant 0 : i32
    %add3A_0 = arith.addi %arg0, %add3A : i32
    %c0_i32 = arith.constant 0 : i32
    %c0_i32_1 = arith.constant 0 : i32
    return %add3A_0, %c0_i32 : i32, i32
  }
  func.func @transform_1(%arg0: i32) -> (i32, i32) {
    %add3A = arith.constant 0 : i32
    %add3A_0 = arith.addi %arg0, %add3A : i32
    %c0_i32 = arith.constant 0 : i32
    %c0_i32_1 = arith.constant 0 : i32
    return %add3A_0, %c0_i32 : i32, i32
  }
  func.func @transform_2(%arg0: i32) -> (i32, i32) {
    %c0_i32 = arith.constant 0 : i32
    %c0_i32_0 = arith.constant 0 : i32
    return %arg0, %c0_i32 : i32, i32
  }
  func.func @transform_3(%arg0: i32) -> (i32, i32) {
    %c0_i32 = arith.constant 0 : i32
    %c0_i32_0 = arith.constant 0 : i32
    %c0_i32_1 = arith.constant 0 : i32
    return %c0_i32, %c0_i32_0 : i32, i32
  }
  func.func @transform_4(%arg0: i32) -> (i32, i32) {
    %c0_i32 = arith.constant 0 : i32
    %c0_i32_0 = arith.constant 0 : i32
    %c0_i32_1 = arith.constant 0 : i32
    return %c0_i32, %c0_i32_0 : i32, i32
  }
  func.func @transform_6(%arg0: i32) -> (i32, i32, i32) {
    %add3A = arith.constant 0 : i32
    %add3A_0 = arith.addi %arg0, %add3A : i32
    %c0_i32 = arith.constant 0 : i32
    %c0_i32_1 = arith.constant 0 : i32
    %c0_i32_2 = arith.constant 0 : i32
    return %add3A_0, %c0_i32, %c0_i32_1 : i32, i32, i32
  }
}

</mosaic_0001>

<sc_bundles>
// kernel: kernel.10.cloned.1.call-start
scs
__scs_entry_jumppad:
0x0: {  	(pc) =	sbr.rel $0x88, $3  }
0x1: {  	(tag) =	ssettag $0x0;
	lr =	simm.s32 $0x1  }
0x2: {  	[smem:$0x3F99] =	sst lr;
	_ =	strace $0xD0000000  }
0x3: {  	_ = 	snop  }
0x4: {  	_ = 	snop  }
0x5: {  	_ = 	snop  }
0x6: {  	_ = 	snop  }
0x7: {  	_ = 	snop  }
__scs_overlays_trampoline_lowered:
0x8: {  	[smem:$0x3FA8] =	sst s0  }
0x9: {  	[smem:$0x3FA9] =	sst s1  }
0xa: {  	[smem:$0x3FAA] =	sst s2  }
0xb: {  	[smem:$0x3FAB] =	sst s3  }
0xc: {  	[smem:$0x3FAC] =	sst s4  }
0xd: {  	[smem:$0x3FAD] =	sst s5  }
0xe: {  	[smem:$0x3FAE] =	sst s6  }
0xf: {  	[smem:$0x3FAF] =	sst s7  }
0x10: {  	[smem:$0x3FB0] =	sst s8  }
0x11: {  	[smem:$0x3FB1] =	sst s9;
	s0 =	simm.s32 @!p0 $0x0  }
0x12: {  	s1 =	sld [smem:$0x3F97];
	s0 =	simm.s32 @p0 $0x1  }
0x13: {  	[smem:$0x3FB2] =	sst s0;
	s0 =	simm.s32 @!p1 $0x0  }
0x14: {  	s2 =	sld [smem:$0x3F96];
	s0 =	simm.s32 @p1 $0x1  }
0x15: {  	[smem:$0x3FB3] =	sst s0;
	s0 =	simm.s32 @!p2 $0x0  }
0x16: {  	s3 =	sld [smem:$0x3FDB];
	s0 =	simm.s32 @p2 $0x1  }
0x17: {  	s4 =	simm.s32 $0x1BF5;
	[smem:$0x3FB5] =	sst s0  }
0x18: {  	s0 =	sld [smem:$0x3F98];
	_ =	swait.ge [sflag:s4], $0x0  }
0x19: {  	s7 =	sld [smem:$0x3F99]  }
0x1a: {  	s8 =	sadd.s32 $0xFFFFE003, lr  }
0x1b: {  	s9 =	sadd.s32 $0xFFFFFEF7, lr;
	s5 =	simm.s32 $0xFFFFFFFF;
	p2 =	slt.u32 s8, $0xFFFFF086  }
0x1c: {  	p1 =	slt.u32 s9, $0xF7A;
	s5 =	simm.s32 @!p2 $0x0  }
0x1d: {  	s5 =	simm.s32 @p1 $0x1;
	p0 =	seq.s32 s7, s2  }
0x1e: {  	s7 =	smul.u32 @!p0 $0xF7A, s2;
	p2 =	seq.s32 @!p0 s5, $0x0  }
0x1f: {  	s9 =	smul.u32 $0xF7A, s1;
	s8 =	simm.s32 @!p0 $0x1BF5;
	p2 =	por !p2, p0  }
0x20: {  	[sflag:s8] =	ssyncset.s32 @!p0 $0xFFFFF086;
	s6 =	sadd.s32 @!p0 s3, s7;
	s7 =	simm.s32 @!p0 $0x108  }
0x21: {  	s3 =	sadd.s32 s3, s9;
	s6 =	sadd.s32 @!p0 $0x88, s6;
	s7 =	simm.s32 @p2 $0x1082  }
0x22: {  	[simem:s7], [sflag:s8] =	dma.local @!p0 [hbm:s6], $0xF7A  }
0x23: {  	s9 =	sor.u32 $0xD0000000, s2;
	s6 =	simm.s32 $0x108;
	_ =	swait.ge @!p0 [sflag:s8], $0x0  }
0x24: {  	s3 =	sadd.s32 $0x88, s3;
	s6 =	simm.s32 @!p1 $0x1082;
	[sflag:s4] =	ssyncset.s32 $0xFFFFF086  }
0x25: {  	[simem:s6], [sflag:s4] =	dma.local [hbm:s3], $0xF7A  }
0x26: {  	[smem:$0x3F99] =	sst s1;
	(tag) =	ssettag s2;
	_ =	strace s9  }
0x27: {  	s1 =	sld [smem:$0x3FA9]  }
0x28: {  	s2 =	sld [smem:$0x3FAA]  }
0x29: {  	s4 =	sld [smem:$0x3FAC]  }
0x2a: {  	p0 =	seq.s32 s5, $0x0;
	s5 =	sld [smem:$0x3FAD]  }
0x2b: {  	s6 =	sld [smem:$0x3FAE]  }
0x2c: {  	s7 =	sld [smem:$0x3FAF]  }
0x2d: {  	s3 =	simm.s32 $0x108;
	s8 =	sld [smem:$0x3FB0]  }
0x2e: {  	s3 =	simm.s32 @!p0 $0x1082;
	s9 =	sld [smem:$0x3FB1]  }
0x2f: {  	lr =	sadd.s32 s0, s3;
	s0 =	sld [smem:$0x3FA8]  }
0x30: {  	s3 =	sld [smem:$0x3FAB]  }
0x31: {  	[smem:$0x3FB4] =	sst s10  }
0x32: {  	s10 =	sld [smem:$0x3FB2];
	_ =	sdelay $0x3  }
0x33: {  	p0 =	seq.s32 s10, $0x1;
	s10 =	sld [smem:$0x3FB4];
	_ =	sdelay $0x3  }
0x34: {  	[smem:$0x3FB4] =	sst s10  }
0x35: {  	s10 =	sld [smem:$0x3FB3];
	_ =	sdelay $0x3  }
0x36: {  	p1 =	seq.s32 s10, $0x1;
	s10 =	sld [smem:$0x3FB4];
	_ =	sdelay $0x3  }
0x37: {  	[smem:$0x3FB4] =	sst s10  }
0x38: {  	s10 =	sld [smem:$0x3FB5]  }
0x39: {  	_ = 	snop;
	(pc) =	sbr.ind lr, $3  }
0x3a: {  	_ = 	snop  }
0x3b: {  	_ = 	snop  }
0x3c: {  	p2 =	seq.s32 s10, $0x1;
	s10 =	sld [smem:$0x3FB4]  }
0x3d: {  	_ =	shalt  }
0x3e: {  	_ =	shalt  }
0x3f: {  	_ =	shalt  }
0x40: {  	_ =	shalt  }
0x41: {  	_ =	shalt  }
0x42: {  	_ =	shalt  }
0x43: {  	_ =	shalt  }
0x44: {  	_ =	shalt  }
0x45: {  	_ =	shalt  }
0x46: {  	_ =	shalt  }
0x47: {  	_ =	shalt  }
0x48: {  	_ =	shalt  }
0x49: {  	_ =	shalt  }
0x4a: {  	_ =	shalt  }
0x4b: {  	_ =	shalt  }
0x4c: {  	_ =	shalt  }
0x4d: {  	_ =	shalt  }
0x4e: {  	_ =	shalt  }
0x4f: {  	_ =	shalt  }
0x50: {  	_ =	shalt  }
0x51: {  	_ =	shalt  }
0x52: {  	_ =	shalt  }
0x53: {  	_ =	shalt  }
0x54: {  	_ =	shalt  }
0x55: {  	_ =	shalt  }
0x56: {  	_ =	shalt  }
0x57: {  	_ =	shalt  }
0x58: {  	_ =	shalt  }
0x59: {  	_ =	shalt  }
0x5a: {  	_ =	shalt  }
0x5b: {  	_ =	shalt  }
0x5c: {  	_ =	shalt  }
0x5d: {  	_ =	shalt  }
0x5e: {  	_ =	shalt  }
0x5f: {  	_ =	shalt  }
0x60: {  	_ =	shalt  }
0x61: {  	_ =	shalt  }
0x62: {  	_ =	shalt  }
0x63: {  	_ =	shalt  }
0x64: {  	_ =	shalt  }
0x65: {  	_ =	shalt  }
0x66: {  	_ =	shalt  }
0x67: {  	_ =	shalt  }
0x68: {  	_ =	shalt  }
0x69: {  	_ =	shalt  }
0x6a: {  	_ =	shalt  }
0x6b: {  	_ =	shalt  }
0x6c: {  	_ =	shalt  }
0x6d: {  	_ =	shalt  }
0x6e: {  	_ =	shalt  }
0x6f: {  	_ =	shalt  }
0x70: {  	_ =	shalt  }
0x71: {  	_ =	shalt  }
0x72: {  	_ =	shalt  }
0x73: {  	_ =	shalt  }
0x74: {  	_ =	shalt  }
0x75: {  	_ =	shalt  }
0x76: {  	_ =	shalt  }
0x77: {  	_ =	shalt  }
0x78: {  	_ =	shalt  }
0x79: {  	_ =	shalt  }
0x7a: {  	_ =	shalt  }
0x7b: {  	_ =	shalt  }
0x7c: {  	_ =	shalt  }
0x7d: {  	_ =	shalt  }
0x7e: {  	_ =	shalt  }
0x7f: {  	_ =	shalt  }
0x80: {  	_ =	shalt  }
0x81: {  	_ =	shalt  }
0x82: {  	_ =	shalt  }
0x83: {  	_ =	shalt  }
0x84: {  	_ =	shalt  }
0x85: {  	_ =	shalt  }
0x86: {  	_ =	shalt  }
0x87: {  	_ =	shalt  }
.Lfunc_end0:
.L_simem_size_0:
called_computation.1_lowered:
.L_overlay_start_0:
0x88: {  	s2 =	sld [smem:$0x3FD9]  }
0x89: {  	s3 =	sld [smem:$0x3FFE];
	_ =	sdelay $0x1  }
0x8a: {  	s1 =	srdreg.scid  }
0x8b: {  	s0 =	sand.u32 $0x1, s1  }
0x8c: {  	s17 =	sshll.u32 s0, $0xA;
	s2 =	sadd.s32 s3, s2  }
0x8d: {  	s2 =	sadd.s32 s2, s17  }
0x8e: {  	[smem:$0x3FC0] =	sst s2  }
0x8f: {  	_ = 	snop  }
0x90: {  	s18 =	sld [smem:$0x3FC9]  }
0x91: {  	s4 =	sld [smem:$0x3FC6]  }
0x92: {  	s5 =	sld [smem:$0x3FC5]  }
0x93: {  	s6 =	sld [smem:$0x3FC4];
	(tm) =	ssettm $0x1  }
0x94: {  	s19 =	sld [smem:$0x3FFB];
	_ =	sdelay $0x3  }
0x95: {  	_ =	strace s19  }
0x96: {  	s2 =	sld [smem:$0x3FFC];
	_ =	sdelay $0x3  }
0x97: {  	_ =	strace s2  }
0x98: {  	s2 =	sld [smem:$0x3FFD];
	_ =	sdelay $0x3  }
0x99: {  	_ =	strace s2  }
0x9a: {  	_ =	strace $0x8FFFFFFF  }
0x9b: {  	s20 =	sld [smem:$0x3FDB];
	_ =	sdelay $0x1  }
0x9c: {  	s7 =	simm.s32 $_scs_section_size  }
0x9d: {  	s8 =	simm.s32 $_size__tile_overlayer_lowered;
	s9 =	simm.s32 $_tile_overlayer_lowered  }
0x9e: {  	s10 =	simm.s32 $0x1BFF;
	s21 =	sshll.u32 s9, $0x1;
	s7 =	sadd.s32 s7, s20  }
0x9f: {  	s22 =	simm.s32 $0x0;
	s8 =	sshll.u32 s8, $0x1;
	s9 =	sadd.s32 s21, s7  }
0xa0: {  	[timem:s22], [sflag:s10] =	dma.local [hbm:s9], s8  }
0xa1: {  	_ =	swait.ge [sflag:s10], s8  }
0xa2: {  	s8 =	ssub.s32 $0x0, s8;
	[sflag:s10] =	ssyncset.done $0x0  }
0xa3: {  	[sflag:s10] =	ssyncadd.s32 s8;
	_ =	sdelay $0x1  }
0xa4: {  	s23 =	simm.s32 $0x1B8B  }
0xa5: {  	_ =	swait.ge [sflag:s23], $0x1  }
0xa6: {  	[sflag:s23] =	ssyncset.done $0x0  }
0xa7: {  	[sflag:s23] =	ssyncadd.s32 $0xFFFFFFFF  }
0xa8: {  	s8 =	sld [smem:$0x0]  }
0xa9: {  	s9 =	sand.u32 $0xFFFFFFFE, s1  }
0xaa: {  	p0 =	sne.s32 s1, s9  }
0xab: {  	s9 =	sshll.u32 @p0 s9, $0xE  }
0xac: {  	s9 =	sadd.s32 @p0 $0x11B8D, s9;
	s10 =	sshll.u32 @p0 s8, $0x11  }
0xad: {  	s9 =	sor.u32 @p0 s10, s9  }
0xae: {  	[sflag:s9] =	ssyncadd.remote.s32 @p0 $0x1;
	_ =	sdelay $0x1  }
0xaf: {  	s9 =	simm.s32 @p0 $0x1B8D  }
0xb0: {  	_ =	swait.eq @p0 [sflag:s9], $0x1  }
0xb1: {  	[sflag:s9] =	ssyncadd.s32 @p0 $0xFFFFFFFF  }
0xb2: {  	s10 =	sshll.u32 @!p0 s1, $0xE  }
0xb3: {  	s10 =	sor.u32 @!p0 $0x4000, s10;
	s9 =	simm.s32 @!p0 $0x1B8D  }
0xb4: {  	s8 =	sshll.u32 @!p0 s8, $0x11;
	s10 =	sadd.s32 @!p0 $0x11B8D, s10;
	_ =	swait.eq @!p0 [sflag:s9], $0x1  }
0xb5: {  	s8 =	sor.u32 @!p0 s8, s10;
	[sflag:s9] =	ssyncadd.s32 @!p0 $0xFFFFFFFF  }
0xb6: {  	s25 =	simm.s32 $0x1B8E;
	s24 =	sld [smem:$0x3FFE];
	[sflag:s8] =	ssyncadd.remote.s32 @!p0 $0x1  }
0xb7: {  	s26 =	simm.s32 $execute0_lowered;
	[smem:$0x3FD2] =	sst s25  }
0xb8: {  	s9 =	sshll.u32 s26, $0x1;
	_ =	strace $0x80000049;
	[dreg:$0x1] =	wrdreg $0xFFFFFFFF  }
0xb9: {  	s28 =	simm.s32 $_size_execute0_lowered;
	s7 =	sadd.s32 s7, s9;
	[dreg:$0x0] =	wrdreg $0x0  }
0xba: {  	s9 =	sshll.u32 s28, $0x1;
	[dreg:$0x2] =	wrdreg s7  }
0xbb: {  	[dreg:$0x3] =	wrdreg s9  }
0xbc: {  	[dreg:$0x4] =	wrdreg $0xC0  }
0xbd: {  	_ =	task [dreg:s22], $0x5FFFF  }
0xbe: {  	[dreg:$0x1] =	wrdreg $0xFFFFFFFF  }
0xbf: {  	[dreg:$0x0] =	wrdreg $0x60  }
0xc0: {  	[dreg:$0x2] =	wrdreg s18  }
0xc1: {  	[dreg:$0x3] =	wrdreg s4  }
0xc2: {  	[dreg:$0x4] =	wrdreg s5  }
0xc3: {  	[dreg:$0x5] =	wrdreg s6  }
0xc4: {  	[dreg:$0x6] =	wrdreg s24  }
0xc5: {  	[dreg:$0x7] =	wrdreg $0xA  }
0xc6: {  	_ =	task.clear_ibuf [dreg:s22], $0x8FFFF;
	_ =	strace $0x90000049  }
0xc7: {  	s29 =	simm.s32 $0xA;
	_ =	strace $0x8000004B  }
0xc8: {  	_ =	swait.ge [sflag:s29], $0x1  }
0xc9: {  	[sflag:s29] =	ssyncadd.s32 $0xFFFFFFFF  }
0xca: {  	_ =	strace $0x9000004B  }
0xcb: {  	_ =	sfence  }
0xcc: {  	s30 =	sld [smem:$0x0];
	_ =	sdelay $0x2  }
0xcd: {  	s31 =	sshll.u32 s1, $0xD;
	s1 =	sshrl.u32 s1, $0x2  }
0xce: {  	s4 =	sand.u32 $0x4000, s31;
	s1 =	sadd.s32 s1, s30  }
0xcf: {  	s0 =	sor.u32 s4, s0;
	s1 =	sshll.u32 s1, $0x11  }
0xd0: {  	s0 =	sor.u32 s1, s0  }
0xd1: {  	s0 =	sadd.s32 $0x8F2B, s0  }
0xd2: {  	[sflag:s0] =	ssyncadd.remote.s32 $0x1  }
0xd3: {  	_ =	sfence.sel $0xFFFF  }
0xd4: {  	[dreg:$0x0] =	wrdreg $0xFFFFFFFF;
	(pc) =	sbr.abs _section_cstart, $3  }
0xd5: {  	[dreg:$0x1] =	wrdreg $0xFFFFFFFF  }
0xd6: {  	_ =	task.clear_ibuf [dreg:s22], $0x2FFFF;
	_ =	strace $0x9FFFFFFF  }
0xd7: {  	(tm) =	ssettm $0x7FFFFFFF  }
tec
execute0_lowered:
.L_overlay_start_1:
0x0: {  	(tag) =	ssettag $0x1  }
0x1: {  	s5 =	rddreg [dreg:$0x0]  }
0x2: {  	s6 =	rddreg [dreg:$0x1]  }
0x3: {  	s2 =	rddreg [dreg:$0x2]  }
0x4: {  	s3 =	rddreg [dreg:$0x3]  }
0x5: {  	s7 =	rddreg [dreg:$0x4];
	s4 =	simm.s32 $0x0  }
0x6: {  	s1 =	stileid.u32;
	s17 =	simm.s32 $0x80;
	[smem:$0x7FF] =	sst s4  }
0x7: {  	s18 =	simm.s32 $0x900;
	_ =	strace $0x8000004A;
	[dreg:$0xa] =	wrdreg s17  }
0x8: {  	s0 =	srdreg.scid;
	s19 =	simm.s32 $0x1100;
	[dreg:$0xb] =	wrdreg s18  }
0x9: {  	s20 =	simm.s32 $0x1900;
	s21 =	simm.s32 $0x2100;
	[dreg:$0xc] =	wrdreg s19  }
0xa: {  	s22 =	simm.s32 $0x2900;
	s23 =	simm.s32 $0x3100;
	[dreg:$0xd] =	wrdreg s20  }
0xb: {  	s24 =	simm.s32 $0x3900;
	s25 =	simm.s32 $0x4100;
	[dreg:$0xe] =	wrdreg s21  }
0xc: {  	s28 =	simm.s32 $0x16900;
	s29 =	simm.s32 $0x17100;
	[dreg:$0xf] =	wrdreg s22  }
0xd: {  	s30 =	simm.s32 $0x17900;
	s31 =	simm.s32 $0x1;
	[dreg:$0x10] =	wrdreg s23  }
0xe: {  	s8 =	sshll.u32 s1, $0x1;
	s0 =	sand.u32 $0x1, s0;
	[dreg:$0x11] =	wrdreg s24  }
0xf: {  	s9 =	sshrl.u32 s1, $0x2;
	[dreg:$0x12] =	wrdreg s25;
	s18 =	simm.s32 $0xB100  }
0x10: {  	s7 =	sadd.s32 $0x61400, s7;
	s19 =	simm.s32 $0xB900;
	[smem:$0x7F5] =	sst s18  }
0x11: {  	s8 =	sand.u32 $0x6, s8;
	s20 =	simm.s32 $0xC900;
	[smem:$0x7F6] =	sst s19  }
0x12: {  	s10 =	sshll.u32 s9, $0xA;
	s21 =	simm.s32 $0xD100;
	[smem:$0x7F7] =	sst s20  }
0x13: {  	s9 =	sor.u32 $0x4, s9;
	s22 =	simm.s32 $0xD900;
	[smem:$0x7F8] =	sst s21  }
0x14: {  	s23 =	simm.s32 $0xE100;
	s24 =	simm.s32 $0xE900;
	[smem:$0x7F9] =	sst s22  }
0x15: {  	s25 =	simm.s32 $0xF100;
	s8 =	sor.u32 s0, s8;
	[smem:$0x7FA] =	sst s23  }
0x16: {  	s11 =	sshll.u32 s9, $0x9;
	s9 =	sshll.u32 s9, $0xA;
	[smem:$0x7FB] =	sst s24  }
0x17: {  	s0 =	ssub.s32 $0x2, s0;
	[smem:$0x7FC] =	sst s25;
	s18 =	simm.s32 $0x12100  }
0x18: {  	s19 =	simm.s32 $0x12900;
	s20 =	simm.s32 $0x13100;
	s21 =	simm.s32 $0x13900  }
0x19: {  	s22 =	simm.s32 $0x14100;
	s23 =	simm.s32 $0x14900;
	s24 =	simm.s32 $0x15100  }
0x1a: {  	s25 =	simm.s32 $0x15900;
	s8 =	sshll.u32 s8, $0x6;
	s17 =	sshrl.u32 s0, $0x1  }
0x1b: {  	s10 =	sor.u32 s10, s8;
	s11 =	sor.u32 s11, s8;
	s8 =	sor.u32 s9, s8  }
0x1c: {  	s9 =	simm.s32 $0x7100;
	s0 =	ssub.s32 s0, s17;
	s17 =	simm.s32 $0x11900  }
0x1d: {  	s26 =	sshrl.u32 s11, $0x3;
	[dreg:$0x18] =	wrdreg s9;
	s11 =	simm.s32 $0x8100  }
0x1e: {  	s8 =	sshrl.u32 s8, $0x3;
	s5 =	sadd.s32 s5, s26;
	[dreg:$0x1a] =	wrdreg s11  }
0x1f: {  	s10 =	sshrl.u32 s10, $0x3;
	s13 =	sadd.s32 s6, s8;
	[dreg:$0x6] =	wrdreg s5  }
0x20: {  	s9 =	smax.u32 s0, $0x1;
	s26 =	simm.s32 $0x4900;
	[dreg:$0x7] =	wrdreg s13  }
0x21: {  	s1 =	smul.u32 $0x1800, s10;
	s8 =	simm.s32 $0x6900;
	[dreg:$0x13] =	wrdreg s26  }
0x22: {  	s12 =	smul.u32 $0x300, s10;
	s10 =	simm.s32 $0x7900;
	[dreg:$0x17] =	wrdreg s8  }
0x23: {  	s0 =	simm.s32 $0x2;
	[dreg:$0x19] =	wrdreg s10;
	s13 =	simm.s32 $0x9100  }
0x24: {  	s11 =	simm.s32 $0x4;
	s26 =	simm.s32 $0xF900;
	[dreg:$0x1c] =	wrdreg s13  }
0x25: {  	s5 =	sadd.s32 $0x100, s2;
	s15 =	sadd.s32 s7, s12;
	[smem:$0x7FD] =	sst s26  }
0x26: {  	s14 =	sshrl.u32 s1, $0x3;
	s1 =	simm.s32 $0x5100;
	[dreg:$0x8] =	wrdreg s15  }
0x27: {  	s8 =	sadd.s32 $0x200, s3;
	s12 =	simm.s32 $0x8900;
	[dreg:$0x14] =	wrdreg s1  }
0x28: {  	s6 =	sadd.s32 s7, s14;
	s7 =	simm.s32 $0x6100;
	[dreg:$0x1b] =	wrdreg s12  }
0x29: {  	s10 =	simm.s32 $0x3;
	s14 =	simm.s32 $0x9900;
	[dreg:$0x16] =	wrdreg s7  }
0x2a: {  	s13 =	simm.s32 $0xC100;
	s15 =	simm.s32 $0xA100;
	[dreg:$0x1d] =	wrdreg s14  }
0x2b: {  	s26 =	simm.s32 $0x16100;
	s16 =	sadd.s32 $0xC000, s6;
	[dreg:$0x1e] =	wrdreg s15  }
0x2c: {  	v2 =	vlaneseq.u32;
	s12 =	simm.s32 $0x100;
	s6 =	simm.s32 $0x5900;
	[dreg:$0x9] =	wrdreg s16  }
0x2d: {  	vm0 =	vmmov $0xffff;
	v1 =	vshrl.u32 v2, $0x3;
	s7 =	sadd.s32 $0x100, s3;
	[dreg:$0x15] =	wrdreg s6;
	s16 =	simm.s32 $0xA900  }
0x2e: {  	v0 =	vand.u32 $0x7, v2;
	v2 =	vor.u32 $0x8, v2;
	v1 =	vmul.u32 $0x8, v1;
	s6 =	sadd.s32 $0x200, s2;
	[dreg:$0x1f] =	wrdreg s16;
	s16 =	simm.s32 $0x11100  }
.LBB2_1:
0x2f: {  	s1 =	rddreg [dreg:$0x6]  }
0x30: {  	s14 =	rddreg [dreg:$0x7]  }
0x31: {  	[tilespmem:s4], [sflag:$0x3] =	stream.linear.gather [hbm4b:s1+s4], $0x40, $0x38;
	[tilespmem:$0x18100] =	vst v63  }
0x32: {  	s15 =	rddreg [dreg:$0xa]  }
0x33: {  	[tilespmem:s15], [sflag:$0x4] =	stream.linear.gather [hbm4b:s14+s4], $0x40, $0x38;
	[tilespmem:$0x18100] =	vst v63  }
0x34: {  	_ =	swait.ge [sflag:s10], $0x40  }
0x35: {  	[sflag:s10] =	ssyncset.done $0x0  }
0x36: {  	[sflag:s10] =	ssyncadd.s32 $0xFFFFFFC0  }
0x37: {  	_ =	swait.ge [sflag:s11], $0x40  }
0x38: {  	[sflag:s11] =	ssyncset.done $0x0  }
0x39: {  	[sflag:s11] =	ssyncadd.s32 $0xFFFFFFC0  }
0x3a: {  	v3 =	vld [tilespmem:$0x0];
	_ =	sdelay $0x4  }
0x3b: {  	v4 =	vshrl.u32 v3, $0x3  }
0x3c: {  	v4 =	vmul.u32 $0x30, v4  }
0x3d: {  	v3 =	vand.u32 $0x7, v3  }
0x3e: {  	v3 =	vor.u32 v3, v4  }
0x3f: {  	v4 =	vperm.xlane v3, v0;
	_ =	sdelay $0x1  }
0x40: {  	v4 =	vadd.s32 v1, v4;
	_ =	sdelay $0x3  }
0x41: {  	v3 =	vperm.xlane v3, v2  }
0x42: {  	[tilespmem:s12], [sflag:$0x1] =	stream.indirect_vreg.gather [hbm4b:s2+s4], $0x80, v4, vm0, $0xb8;
	[tilespmem:$0x18100] =	vst v63  }
0x43: {  	s15 =	rddreg [dreg:$0xb];
	v3 =	vadd.s32 v1, v3  }
0x44: {  	[tilespmem:s15], [sflag:$0x1] =	stream.indirect_vreg.gather [hbm4b:s5+s4], $0x80, v4, vm0, $0xb8;
	[tilespmem:$0x18100] =	vst v63  }
0x45: {  	s14 =	rddreg [dreg:$0xc]  }
0x46: {  	[tilespmem:s14], [sflag:$0x1] =	stream.indirect_vreg.gather [hbm4b:s6+s4], $0x80, v4, vm0, $0xb8;
	[tilespmem:$0x18100] =	vst v63  }
0x47: {  	s15 =	rddreg [dreg:$0xd]  }
0x48: {  	[tilespmem:s15], [sflag:$0x1] =	stream.indirect_vreg.gather [hbm4b:s2+s4], $0x80, v3, vm0, $0xb8;
	[tilespmem:$0x18100] =	vst v63  }
0x49: {  	s14 =	rddreg [dreg:$0xe]  }
0x4a: {  	[tilespmem:s14], [sflag:$0x1] =	stream.indirect_vreg.gather [hbm4b:s5+s4], $0x80, v3, vm0, $0xb8;
	[tilespmem:$0x18100] =	vst v63  }
0x4b: {  	s15 =	rddreg [dreg:$0xf]  }
0x4c: {  	[tilespmem:s15], [sflag:$0x1] =	stream.indirect_vreg.gather [hbm4b:s6+s4], $0x80, v3, vm0, $0xb8;
	[tilespmem:$0x18100] =	vst v63  }
0x4d: {  	v3 =	vld [tilespmem:$0x10];
	_ =	sdelay $0x4  }
0x4e: {  	v57 =	vshrl.u32 v3, $0x3  }
0x4f: {  	v4 =	vmul.u32 $0x30, v57  }
0x50: {  	v3 =	vand.u32 $0x7, v3  }
0x51: {  	v3 =	vor.u32 v3, v4  }
0x52: {  	v4 =	vperm.xlane v3, v0;
	_ =	sdelay $0x1  }
0x53: {  	v4 =	vadd.s32 v1, v4;
	_ =	sdelay $0x3  }
0x54: {  	s14 =	rddreg [dreg:$0x10];
	v3 =	vperm.xlane v3, v2  }
0x55: {  	[tilespmem:s14], [sflag:$0x1] =	stream.indirect_vreg.gather [hbm4b:s2+s4], $0x80, v4, vm0, $0xb8;
	[tilespmem:$0x18100] =	vst v63  }
0x56: {  	s15 =	rddreg [dreg:$0x11];
	v3 =	vadd.s32 v1, v3  }
0x57: {  	[tilespmem:s15], [sflag:$0x1] =	stream.indirect_vreg.gather [hbm4b:s5+s4], $0x80, v4, vm0, $0xb8;
	[tilespmem:$0x18100] =	vst v63  }
0x58: {  	s1 =	rddreg [dreg:$0x12]  }
0x59: {  	[tilespmem:s1], [sflag:$0x1] =	stream.indirect_vreg.gather [hbm4b:s6+s4], $0x80, v4, vm0, $0xb8;
	[tilespmem:$0x18100] =	vst v63  }
0x5a: {  	s15 =	rddreg [dreg:$0x13]  }
0x5b: {  	[tilespmem:s15], [sflag:$0x1] =	stream.indirect_vreg.gather [hbm4b:s2+s4], $0x80, v3, vm0, $0xb8;
	[tilespmem:$0x18100] =	vst v63  }
0x5c: {  	s1 =	rddreg [dreg:$0x14]  }
0x5d: {  	[tilespmem:s1], [sflag:$0x1] =	stream.indirect_vreg.gather [hbm4b:s5+s4], $0x80, v3, vm0, $0xb8;
	[tilespmem:$0x18100] =	vst v63  }
0x5e: {  	s15 =	rddreg [dreg:$0x15]  }
0x5f: {  	[tilespmem:s15], [sflag:$0x1] =	stream.indirect_vreg.gather [hbm4b:s6+s4], $0x80, v3, vm0, $0xb8;
	[tilespmem:$0x18100] =	vst v63  }
0x60: {  	v3 =	vld [tilespmem:$0x20];
	_ =	sdelay $0x4  }
0x61: {  	v58 =	vshrl.u32 v3, $0x3  }
0x62: {  	v4 =	vmul.u32 $0x30, v58  }
0x63: {  	v3 =	vand.u32 $0x7, v3  }
0x64: {  	v3 =	vor.u32 v3, v4  }
0x65: {  	v4 =	vperm.xlane v3, v0;
	_ =	sdelay $0x1  }
0x66: {  	v4 =	vadd.s32 v1, v4;
	_ =	sdelay $0x3  }
0x67: {  	s14 =	rddreg [dreg:$0x16];
	v3 =	vperm.xlane v3, v2  }
0x68: {  	[tilespmem:s14], [sflag:$0x1] =	stream.indirect_vreg.gather [hbm4b:s2+s4], $0x80, v4, vm0, $0xb8;
	[tilespmem:$0x18100] =	vst v63  }
0x69: {  	s15 =	rddreg [dreg:$0x17];
	v3 =	vadd.s32 v1, v3  }
0x6a: {  	[tilespmem:s15], [sflag:$0x1] =	stream.indirect_vreg.gather [hbm4b:s5+s4], $0x80, v4, vm0, $0xb8;
	[tilespmem:$0x18100] =	vst v63  }
0x6b: {  	s1 =	rddreg [dreg:$0x18]  }
0x6c: {  	[tilespmem:s1], [sflag:$0x1] =	stream.indirect_vreg.gather [hbm4b:s6+s4], $0x80, v4, vm0, $0xb8;
	[tilespmem:$0x18100] =	vst v63  }
0x6d: {  	s15 =	rddreg [dreg:$0x19]  }
0x6e: {  	[tilespmem:s15], [sflag:$0x1] =	stream.indirect_vreg.gather [hbm4b:s2+s4], $0x80, v3, vm0, $0xb8;
	[tilespmem:$0x18100] =	vst v63  }
0x6f: {  	s1 =	rddreg [dreg:$0x1a]  }
0x70: {  	[tilespmem:s1], [sflag:$0x1] =	stream.indirect_vreg.gather [hbm4b:s5+s4], $0x80, v3, vm0, $0xb8;
	[tilespmem:$0x18100] =	vst v63  }
0x71: {  	s15 =	rddreg [dreg:$0x1b]  }
0x72: {  	[tilespmem:s15], [sflag:$0x1] =	stream.indirect_vreg.gather [hbm4b:s6+s4], $0x80, v3, vm0, $0xb8;
	[tilespmem:$0x18100] =	vst v63  }
0x73: {  	v3 =	vld [tilespmem:$0x30];
	_ =	sdelay $0x4  }
0x74: {  	v59 =	vshrl.u32 v3, $0x3  }
0x75: {  	v4 =	vmul.u32 $0x30, v59  }
0x76: {  	v3 =	vand.u32 $0x7, v3  }
0x77: {  	v3 =	vor.u32 v3, v4  }
0x78: {  	v4 =	vperm.xlane v3, v0;
	_ =	sdelay $0x1  }
0x79: {  	v4 =	vadd.s32 v1, v4;
	_ =	sdelay $0x2  }
0x7a: {  	s14 =	rddreg [dreg:$0x1c]  }
0x7b: {  	s1 =	rddreg [dreg:$0x1e];
	v3 =	vperm.xlane v3, v2  }
0x7c: {  	[tilespmem:s14], [sflag:$0x1] =	stream.indirect_vreg.gather [hbm4b:s2+s4], $0x80, v4, vm0, $0xb8;
	[tilespmem:$0x18100] =	vst v63  }
0x7d: {  	s15 =	rddreg [dreg:$0x1d];
	v3 =	vadd.s32 v1, v3  }
0x7e: {  	[tilespmem:s15], [sflag:$0x1] =	stream.indirect_vreg.gather [hbm4b:s5+s4], $0x80, v4, vm0, $0xb8;
	[tilespmem:$0x18100] =	vst v63  }
0x7f: {  	s15 =	rddreg [dreg:$0x1f]  }
0x80: {  	[tilespmem:s1], [sflag:$0x1] =	stream.indirect_vreg.gather [hbm4b:s6+s4], $0x80, v4, vm0, $0xb8;
	[tilespmem:$0x18100] =	vst v63  }
0x81: {  	s1 =	sld [smem:$0x7F5]  }
0x82: {  	[tilespmem:s15], [sflag:$0x1] =	stream.indirect_vreg.gather [hbm4b:s2+s4], $0x80, v3, vm0, $0xb8;
	[tilespmem:$0x18100] =	vst v63  }
0x83: {  	s15 =	sld [smem:$0x7F6]  }
0x84: {  	[tilespmem:s1], [sflag:$0x1] =	stream.indirect_vreg.gather [hbm4b:s5+s4], $0x80, v3, vm0, $0xb8;
	[tilespmem:$0x18100] =	vst v63  }
0x85: {  	_ = 	snop  }
0x86: {  	[tilespmem:s15], [sflag:$0x1] =	stream.indirect_vreg.gather [hbm4b:s6+s4], $0x80, v3, vm0, $0xb8;
	[tilespmem:$0x18100] =	vst v63  }
0x87: {  	v3 =	vld [tilespmem:$0x80];
	_ =	sdelay $0x4  }
0x88: {  	v60 =	vshrl.u32 v3, $0x3  }
0x89: {  	v4 =	vmul.u32 $0x30, v60  }
0x8a: {  	v3 =	vand.u32 $0x7, v3  }
0x8b: {  	v3 =	vor.u32 v3, v4  }
0x8c: {  	v4 =	vperm.xlane v3, v0;
	_ =	sdelay $0x1  }
0x8d: {  	v4 =	vadd.s32 v1, v4;
	_ =	sdelay $0x3  }
0x8e: {  	s15 =	sld [smem:$0x7F7];
	v3 =	vperm.xlane v3, v2  }
0x8f: {  	[tilespmem:s13], [sflag:$0x2] =	stream.indirect_vreg.gather [hbm4b:s3+s4], $0x80, v4, vm0, $0xb8;
	[tilespmem:$0x18100] =	vst v63  }
0x90: {  	s14 =	sld [smem:$0x7F8];
	v3 =	vadd.s32 v1, v3  }
0x91: {  	[tilespmem:s15], [sflag:$0x2] =	stream.indirect_vreg.gather [hbm4b:s7+s4], $0x80, v4, vm0, $0xb8;
	[tilespmem:$0x18100] =	vst v63  }
0x92: {  	s15 =	sld [smem:$0x7F9]  }
0x93: {  	[tilespmem:s14], [sflag:$0x2] =	stream.indirect_vreg.gather [hbm4b:s8+s4], $0x80, v4, vm0, $0xb8;
	[tilespmem:$0x18100] =	vst v63  }
0x94: {  	s14 =	sld [smem:$0x7FA]  }
0x95: {  	[tilespmem:s15], [sflag:$0x2] =	stream.indirect_vreg.gather [hbm4b:s3+s4], $0x80, v3, vm0, $0xb8;
	[tilespmem:$0x18100] =	vst v63  }
0x96: {  	s15 =	sld [smem:$0x7FB]  }
0x97: {  	[tilespmem:s14], [sflag:$0x2] =	stream.indirect_vreg.gather [hbm4b:s7+s4], $0x80, v3, vm0, $0xb8;
	[tilespmem:$0x18100] =	vst v63  }
0x98: {  	_ = 	snop  }
0x99: {  	[tilespmem:s15], [sflag:$0x2] =	stream.indirect_vreg.gather [hbm4b:s8+s4], $0x80, v3, vm0, $0xb8;
	[tilespmem:$0x18100] =	vst v63  }
0x9a: {  	v3 =	vld [tilespmem:$0x90];
	_ =	sdelay $0x4  }
0x9b: {  	v61 =	vshrl.u32 v3, $0x3  }
0x9c: {  	v4 =	vmul.u32 $0x30, v61  }
0x9d: {  	v3 =	vand.u32 $0x7, v3  }
0x9e: {  	v3 =	vor.u32 v3, v4  }
0x9f: {  	v4 =	vperm.xlane v3, v0;
	_ =	sdelay $0x1  }
0xa0: {  	v4 =	vadd.s32 v1, v4;
	_ =	sdelay $0x1  }
0xa1: {  	s14 =	sld [smem:$0x7FC];
	_ =	sdelay $0x1  }
0xa2: {  	s15 =	sld [smem:$0x7FD];
	v3 =	vperm.xlane v3, v2  }
0xa3: {  	[tilespmem:s14], [sflag:$0x2] =	stream.indirect_vreg.gather [hbm4b:s3+s4], $0x80, v4, vm0, $0xb8;
	[tilespmem:$0x18100] =	vst v63  }
0xa4: {  	v3 =	vadd.s32 v1, v3  }
0xa5: {  	[tilespmem:s15], [sflag:$0x2] =	stream.indirect_vreg.gather [hbm4b:s7+s4], $0x80, v4, vm0, $0xb8;
	[tilespmem:$0x18100] =	vst v63  }
0xa6: {  	s14 =	simm.s32 $0x10100  }
0xa7: {  	[tilespmem:s14], [sflag:$0x2] =	stream.indirect_vreg.gather [hbm4b:s8+s4], $0x80, v4, vm0, $0xb8;
	[tilespmem:$0x18100] =	vst v63  }
0xa8: {  	s15 =	simm.s32 $0x10900  }
0xa9: {  	[tilespmem:s15], [sflag:$0x2] =	stream.indirect_vreg.gather [hbm4b:s3+s4], $0x80, v3, vm0, $0xb8;
	[tilespmem:$0x18100] =	vst v63  }
0xaa: {  	_ = 	snop  }
0xab: {  	[tilespmem:s16], [sflag:$0x2] =	stream.indirect_vreg.gather [hbm4b:s7+s4], $0x80, v3, vm0, $0xb8;
	[tilespmem:$0x18100] =	vst v63  }
0xac: {  	_ = 	snop  }
0xad: {  	[tilespmem:s17], [sflag:$0x2] =	stream.indirect_vreg.gather [hbm4b:s8+s4], $0x80, v3, vm0, $0xb8;
	[tilespmem:$0x18100] =	vst v63  }
0xae: {  	v3 =	vld [tilespmem:$0xA0];
	_ =	sdelay $0x4  }
0xaf: {  	v62 =	vshrl.u32 v3, $0x3  }
0xb0: {  	v4 =	vmul.u32 $0x30, v62  }
0xb1: {  	v3 =	vand.u32 $0x7, v3  }
0xb2: {  	v3 =	vor.u32 v3, v4  }
0xb3: {  	v4 =	vperm.xlane v3, v0;
	_ =	sdelay $0x1  }
0xb4: {  	v4 =	vadd.s32 v1, v4;
	_ =	sdelay $0x3  }
0xb5: {  	v3 =	vperm.xlane v3, v2  }
0xb6: {  	[tilespmem:s18], [sflag:$0x2] =	stream.indirect_vreg.gather [hbm4b:s3+s4], $0x80, v4, vm0, $0xb8;
	[tilespmem:$0x18100] =	vst v63  }
0xb7: {  	v3 =	vadd.s32 v1, v3  }
0xb8: {  	[tilespmem:s19], [sflag:$0x2] =	stream.indirect_vreg.gather [hbm4b:s7+s4], $0x80, v4, vm0, $0xb8;
	[tilespmem:$0x18100] =	vst v63  }
0xb9: {  	_ = 	snop  }
0xba: {  	[tilespmem:s20], [sflag:$0x2] =	stream.indirect_vreg.gather [hbm4b:s8+s4], $0x80, v4, vm0, $0xb8;
	[tilespmem:$0x18100] =	vst v63  }
0xbb: {  	_ = 	snop  }
0xbc: {  	[tilespmem:s21], [sflag:$0x2] =	stream.indirect_vreg.gather [hbm4b:s3+s4], $0x80, v3, vm0, $0xb8;
	[tilespmem:$0x18100] =	vst v63  }
0xbd: {  	_ = 	snop  }
0xbe: {  	[tilespmem:s22], [sflag:$0x2] =	stream.indirect_vreg.gather [hbm4b:s7+s4], $0x80, v3, vm0, $0xb8;
	[tilespmem:$0x18100] =	vst v63  }
0xbf: {  	_ = 	snop  }
0xc0: {  	[tilespmem:s23], [sflag:$0x2] =	stream.indirect_vreg.gather [hbm4b:s8+s4], $0x80, v3, vm0, $0xb8;
	[tilespmem:$0x18100] =	vst v63  }
0xc1: {  	v3 =	vld [tilespmem:$0xB0];
	_ =	sdelay $0x4  }
0xc2: {  	v63 =	vshrl.u32 v3, $0x3  }
0xc3: {  	v4 =	vmul.u32 $0x30, v63  }
0xc4: {  	v3 =	vand.u32 $0x7, v3  }
0xc5: {  	v3 =	vor.u32 v3, v4  }
0xc6: {  	v4 =	vperm.xlane v3, v0;
	_ =	sdelay $0x1  }
0xc7: {  	v4 =	vadd.s32 v1, v4;
	_ =	sdelay $0x3  }
0xc8: {  	v3 =	vperm.xlane v3, v2  }
0xc9: {  	[tilespmem:s24], [sflag:$0x2] =	stream.indirect_vreg.gather [hbm4b:s3+s4], $0x80, v4, vm0, $0xb8;
	[tilespmem:$0x18100] =	vst v63  }
0xca: {  	v3 =	vadd.s32 v1, v3  }
0xcb: {  	[tilespmem:s25], [sflag:$0x2] =	stream.indirect_vreg.gather [hbm4b:s7+s4], $0x80, v4, vm0, $0xb8;
	[tilespmem:$0x18100] =	vst v63  }
0xcc: {  	_ = 	snop  }
0xcd: {  	[tilespmem:s26], [sflag:$0x2] =	stream.indirect_vreg.gather [hbm4b:s8+s4], $0x80, v4, vm0, $0xb8;
	[tilespmem:$0x18100] =	vst v63  }
0xce: {  	_ = 	snop  }
0xcf: {  	[tilespmem:s28], [sflag:$0x2] =	stream.indirect_vreg.gather [hbm4b:s3+s4], $0x80, v3, vm0, $0xb8;
	[tilespmem:$0x18100] =	vst v63  }
0xd0: {  	_ = 	snop  }
0xd1: {  	[tilespmem:s29], [sflag:$0x2] =	stream.indirect_vreg.gather [hbm4b:s7+s4], $0x80, v3, vm0, $0xb8;
	[tilespmem:$0x18100] =	vst v63  }
0xd2: {  	_ = 	snop  }
0xd3: {  	[tilespmem:s30], [sflag:$0x2] =	stream.indirect_vreg.gather [hbm4b:s8+s4], $0x80, v3, vm0, $0xb8;
	[tilespmem:$0x18100] =	vst v63  }
0xd4: {  	_ =	swait.ge [sflag:s31], $0xC000  }
0xd5: {  	[sflag:s31] =	ssyncset.done $0x0  }
0xd6: {  	s14 =	rddreg [dreg:$0x8];
	[sflag:s31] =	ssyncadd.s32 $0xFFFF4000  }
0xd7: {  	[hbm4b:s14+s4] =	stream.linear.scatter [tilespmem:s12], [sflag:$0x3], $0xC000, $0x38;
	[tilespmem:$0x18100] =	vst v63  }
0xd8: {  	_ =	swait.ge [sflag:s0], $0xC000  }
0xd9: {  	[sflag:s0] =	ssyncset.done $0x0  }
0xda: {  	s15 =	rddreg [dreg:$0x9];
	[sflag:s0] =	ssyncadd.s32 $0xFFFF4000  }
0xdb: {  	[hbm4b:s15+s4] =	stream.linear.scatter [tilespmem:s13], [sflag:$0x4], $0xC000, $0x38;
	[tilespmem:$0x18100] =	vst v63  }
0xdc: {  	p0 =	sne.s32 s9, $0x1;
	_ =	swait.ge [sflag:s10], $0xC000  }
.Ltmp0:
0xdd: {  	[sflag:s10] =	ssyncset.done $0x0;
	(pc) =	sbr.rel @p0 .LBB2_1-.Ltmp0, $4  }
0xde: {  	[sflag:s10] =	ssyncadd.s32 $0xFFFF4000  }
0xdf: {  	_ =	swait.ge [sflag:s11], $0xC000  }
0xe0: {  	[sflag:s11] =	ssyncset.done $0x0  }
0xe1: {  	s9 =	sadd.s32 $0xFFFFFFFF, s9;
	[sflag:s11] =	ssyncadd.s32 $0xFFFF4000  }
0xe2: {  	_ =	sfence.sel $0x180000  }
0xe3: {  	[bflag:$0x0] =	sbarrier.arrive $0xFFFF  }
0xe4: {  	_ =	strace $0x9000004A  }
0xe5: {  	s0 =	stileid.u32;
	[bflag:$0x2] =	sbarrier.arrive $0xFFFF  }
0xe6: {  	p0 =	sne.s32 s0, $0x0;
	s0 =	rddreg [dreg:$0x5]  }
0xe7: {  	s0 =	sadd.s32 @!p0 $0x100000, s0  }
0xe8: {  	[sflag:s0] =	ssyncadd.tile.s32 @!p0 $0x1;
	_ =	shalt  }
.Lfunc_end2:
_tile_overlayer_lowered:
.L_overlay_start_2:
0xe9: {  	(tag) =	ssettag $0x2  }
0xea: {  	s0 =	rddreg [dreg:$0x0];
	s2 =	stileid.u32  }
0xeb: {  	s1 =	rddreg [dreg:$0x1];
	p0 =	sne.s32 s2, $0x0  }
0xec: {  	s3 =	rddreg [dreg:$0x2];
	[bflag:$0x3] =	sbarrier.arrive $0xFFFF;
	s2 =	simm.s32 @!p0 $0x1C05  }
0xed: {  	[timem:s3], [sflag:s2] =	dma.local @!p0 [hbm:s0], s1  }
0xee: {  	s0 =	simm.s32 @!p0 $0x5  }
0xef: {  	_ =	swait.ge @!p0 [sflag:s0], s1  }
0xf0: {  	s1 =	ssub.s32 @!p0 $0x0, s1;
	[sflag:s0] =	ssyncset.done @!p0 $0x0  }
0xf1: {  	[sflag:s0] =	ssyncadd.s32 @!p0 s1  }
0xf2: {  	[bflag:$0x3] =	sbarrier.arrive $0xFFFF  }
0xf3: {  	_ =	shalt  }

// kernel: kernel.7.cloned.1.call-start
scs
__scs_entry_jumppad:
0x0: {  	(pc) =	sbr.rel $0x88, $3  }
0x1: {  	(tag) =	ssettag $0x0;
	lr =	simm.s32 $0x1  }
0x2: {  	[smem:$0x3F99] =	sst lr;
	_ =	strace $0xD0000000  }
0x3: {  	_ = 	snop  }
0x4: {  	_ = 	snop  }
0x5: {  	_ = 	snop  }
0x6: {  	_ = 	snop  }
0x7: {  	_ = 	snop  }
__scs_overlays_trampoline_lowered:
0x8: {  	[smem:$0x3FA8] =	sst s0  }
0x9: {  	[smem:$0x3FA9] =	sst s1  }
0xa: {  	[smem:$0x3FAA] =	sst s2  }
0xb: {  	[smem:$0x3FAB] =	sst s3  }
0xc: {  	[smem:$0x3FAC] =	sst s4  }
0xd: {  	[smem:$0x3FAD] =	sst s5  }
0xe: {  	[smem:$0x3FAE] =	sst s6  }
0xf: {  	[smem:$0x3FAF] =	sst s7  }
0x10: {  	[smem:$0x3FB0] =	sst s8  }
0x11: {  	[smem:$0x3FB1] =	sst s9;
	s0 =	simm.s32 @!p0 $0x0  }
0x12: {  	s1 =	sld [smem:$0x3F97];
	s0 =	simm.s32 @p0 $0x1  }
0x13: {  	[smem:$0x3FB2] =	sst s0;
	s0 =	simm.s32 @!p1 $0x0  }
0x14: {  	s2 =	sld [smem:$0x3F96];
	s0 =	simm.s32 @p1 $0x1  }
0x15: {  	[smem:$0x3FB3] =	sst s0;
	s0 =	simm.s32 @!p2 $0x0  }
0x16: {  	s3 =	sld [smem:$0x3FDB];
	s0 =	simm.s32 @p2 $0x1  }
0x17: {  	s4 =	simm.s32 $0x1BF5;
	[smem:$0x3FB5] =	sst s0  }
0x18: {  	s0 =	sld [smem:$0x3F98];
	_ =	swait.ge [sflag:s4], $0x0  }
0x19: {  	s7 =	sld [smem:$0x3F99]  }
0x1a: {  	s8 =	sadd.s32 $0xFFFFE003, lr  }
0x1b: {  	s9 =	sadd.s32 $0xFFFFFEF7, lr;
	s5 =	simm.s32 $0xFFFFFFFF;
	p2 =	slt.u32 s8, $0xFFFFF086  }
0x1c: {  	p1 =	slt.u32 s9, $0xF7A;
	s5 =	simm.s32 @!p2 $0x0  }
0x1d: {  	s5 =	simm.s32 @p1 $0x1;
	p0 =	seq.s32 s7, s2  }
0x1e: {  	s7 =	smul.u32 @!p0 $0xF7A, s2;
	p2 =	seq.s32 @!p0 s5, $0x0  }
0x1f: {  	s9 =	smul.u32 $0xF7A, s1;
	s8 =	simm.s32 @!p0 $0x1BF5;
	p2 =	por !p2, p0  }
0x20: {  	[sflag:s8] =	ssyncset.s32 @!p0 $0xFFFFF086;
	s6 =	sadd.s32 @!p0 s3, s7;
	s7 =	simm.s32 @!p0 $0x108  }
0x21: {  	s3 =	sadd.s32 s3, s9;
	s6 =	sadd.s32 @!p0 $0x88, s6;
	s7 =	simm.s32 @p2 $0x1082  }
0x22: {  	[simem:s7], [sflag:s8] =	dma.local @!p0 [hbm:s6], $0xF7A  }
0x23: {  	s9 =	sor.u32 $0xD0000000, s2;
	s6 =	simm.s32 $0x108;
	_ =	swait.ge @!p0 [sflag:s8], $0x0  }
0x24: {  	s3 =	sadd.s32 $0x88, s3;
	s6 =	simm.s32 @!p1 $0x1082;
	[sflag:s4] =	ssyncset.s32 $0xFFFFF086  }
0x25: {  	[simem:s6], [sflag:s4] =	dma.local [hbm:s3], $0xF7A  }
0x26: {  	[smem:$0x3F99] =	sst s1;
	(tag) =	ssettag s2;
	_ =	strace s9  }
0x27: {  	s1 =	sld [smem:$0x3FA9]  }
0x28: {  	s2 =	sld [smem:$0x3FAA]  }
0x29: {  	s4 =	sld [smem:$0x3FAC]  }
0x2a: {  	p0 =	seq.s32 s5, $0x0;
	s5 =	sld [smem:$0x3FAD]  }
0x2b: {  	s6 =	sld [smem:$0x3FAE]  }
0x2c: {  	s7 =	sld [smem:$0x3FAF]  }
0x2d: {  	s3 =	simm.s32 $0x108;
	s8 =	sld [smem:$0x3FB0]  }
0x2e: {  	s3 =	simm.s32 @!p0 $0x1082;
	s9 =	sld [smem:$0x3FB1]  }
0x2f: {  	lr =	sadd.s32 s0, s3;
	s0 =	sld [smem:$0x3FA8]  }
0x30: {  	s3 =	sld [smem:$0x3FAB]  }
0x31: {  	[smem:$0x3FB4] =	sst s10  }
0x32: {  	s10 =	sld [smem:$0x3FB2];
	_ =	sdelay $0x3  }
0x33: {  	p0 =	seq.s32 s10, $0x1;
	s10 =	sld [smem:$0x3FB4];
	_ =	sdelay $0x3  }
0x34: {  	[smem:$0x3FB4] =	sst s10  }
0x35: {  	s10 =	sld [smem:$0x3FB3];
	_ =	sdelay $0x3  }
0x36: {  	p1 =	seq.s32 s10, $0x1;
	s10 =	sld [smem:$0x3FB4];
	_ =	sdelay $0x3  }
0x37: {  	[smem:$0x3FB4] =	sst s10  }
0x38: {  	s10 =	sld [smem:$0x3FB5]  }
0x39: {  	_ = 	snop;
	(pc) =	sbr.ind lr, $3  }
0x3a: {  	_ = 	snop  }
0x3b: {  	_ = 	snop  }
0x3c: {  	p2 =	seq.s32 s10, $0x1;
	s10 =	sld [smem:$0x3FB4]  }
0x3d: {  	_ =	shalt  }
0x3e: {  	_ =	shalt  }
0x3f: {  	_ =	shalt  }
0x40: {  	_ =	shalt  }
0x41: {  	_ =	shalt  }
0x42: {  	_ =	shalt  }
0x43: {  	_ =	shalt  }
0x44: {  	_ =	shalt  }
0x45: {  	_ =	shalt  }
0x46: {  	_ =	shalt  }
0x47: {  	_ =	shalt  }
0x48: {  	_ =	shalt  }
0x49: {  	_ =	shalt  }
0x4a: {  	_ =	shalt  }
0x4b: {  	_ =	shalt  }
0x4c: {  	_ =	shalt  }
0x4d: {  	_ =	shalt  }
0x4e: {  	_ =	shalt  }
0x4f: {  	_ =	shalt  }
0x50: {  	_ =	shalt  }
0x51: {  	_ =	shalt  }
0x52: {  	_ =	shalt  }
0x53: {  	_ =	shalt  }
0x54: {  	_ =	shalt  }
0x55: {  	_ =	shalt  }
0x56: {  	_ =	shalt  }
0x57: {  	_ =	shalt  }
0x58: {  	_ =	shalt  }
0x59: {  	_ =	shalt  }
0x5a: {  	_ =	shalt  }
0x5b: {  	_ =	shalt  }
0x5c: {  	_ =	shalt  }
0x5d: {  	_ =	shalt  }
0x5e: {  	_ =	shalt  }
0x5f: {  	_ =	shalt  }
0x60: {  	_ =	shalt  }
0x61: {  	_ =	shalt  }
0x62: {  	_ =	shalt  }
0x63: {  	_ =	shalt  }
0x64: {  	_ =	shalt  }
0x65: {  	_ =	shalt  }
0x66: {  	_ =	shalt  }
0x67: {  	_ =	shalt  }
0x68: {  	_ =	shalt  }
0x69: {  	_ =	shalt  }
0x6a: {  	_ =	shalt  }
0x6b: {  	_ =	shalt  }
0x6c: {  	_ =	shalt  }
0x6d: {  	_ =	shalt  }
0x6e: {  	_ =	shalt  }
0x6f: {  	_ =	shalt  }
0x70: {  	_ =	shalt  }
0x71: {  	_ =	shalt  }
0x72: {  	_ =	shalt  }
0x73: {  	_ =	shalt  }
0x74: {  	_ =	shalt  }
0x75: {  	_ =	shalt  }
0x76: {  	_ =	shalt  }
0x77: {  	_ =	shalt  }
0x78: {  	_ =	shalt  }
0x79: {  	_ =	shalt  }
0x7a: {  	_ =	shalt  }
0x7b: {  	_ =	shalt  }
0x7c: {  	_ =	shalt  }
0x7d: {  	_ =	shalt  }
0x7e: {  	_ =	shalt  }
0x7f: {  	_ =	shalt  }
0x80: {  	_ =	shalt  }
0x81: {  	_ =	shalt  }
0x82: {  	_ =	shalt  }
0x83: {  	_ =	shalt  }
0x84: {  	_ =	shalt  }
0x85: {  	_ =	shalt  }
0x86: {  	_ =	shalt  }
0x87: {  	_ =	shalt  }
.Lfunc_end0:
.L_simem_size_0:
called_computation_lowered:
.L_overlay_start_0:
0x88: {  	s2 =	sld [smem:$0x3FD9]  }
0x89: {  	s3 =	sld [smem:$0x3FFE];
	_ =	sdelay $0x1  }
0x8a: {  	s1 =	srdreg.scid  }
0x8b: {  	s0 =	sand.u32 $0x1, s1  }
0x8c: {  	s17 =	sshll.u32 s0, $0xA;
	s2 =	sadd.s32 s3, s2  }
0x8d: {  	s2 =	sadd.s32 s2, s17  }
0x8e: {  	[smem:$0x3FC0] =	sst s2  }
0x8f: {  	_ = 	snop  }
0x90: {  	s2 =	sld [smem:$0x3FC9]  }
0x91: {  	s18 =	sld [smem:$0x3FC6]  }
0x92: {  	s4 =	sld [smem:$0x3FC5]  }
0x93: {  	s5 =	sld [smem:$0x3FC4];
	(tm) =	ssettm $0x1  }
0x94: {  	s6 =	sld [smem:$0x3FFB];
	_ =	sdelay $0x3  }
0x95: {  	_ =	strace s6  }
0x96: {  	s6 =	sld [smem:$0x3FFC];
	_ =	sdelay $0x3  }
0x97: {  	_ =	strace s6  }
0x98: {  	s6 =	sld [smem:$0x3FFD];
	_ =	sdelay $0x3  }
0x99: {  	_ =	strace s6  }
0x9a: {  	_ =	strace $0x8FFFFFFF  }
0x9b: {  	s19 =	sld [smem:$0x3FDB];
	_ =	sdelay $0x1  }
0x9c: {  	s7 =	simm.s32 $_scs_section_size  }
0x9d: {  	s8 =	simm.s32 $_size__tile_overlayer_lowered;
	s9 =	simm.s32 $_tile_overlayer_lowered  }
0x9e: {  	s22 =	simm.s32 $0x1BFF;
	s21 =	sshll.u32 s9, $0x1;
	s6 =	sadd.s32 s7, s19  }
0x9f: {  	s10 =	simm.s32 $0x0;
	s20 =	sshll.u32 s8, $0x1;
	s8 =	sadd.s32 s21, s6  }
0xa0: {  	[timem:s10], [sflag:s22] =	dma.local [hbm:s8], s20  }
0xa1: {  	_ =	swait.ge [sflag:s22], s20  }
0xa2: {  	s7 =	ssub.s32 $0x0, s20;
	[sflag:s22] =	ssyncset.done $0x0  }
0xa3: {  	[sflag:s22] =	ssyncadd.s32 s7;
	_ =	sdelay $0x1  }
0xa4: {  	s23 =	simm.s32 $0x1B8B  }
0xa5: {  	_ =	swait.ge [sflag:s23], $0x1  }
0xa6: {  	[sflag:s23] =	ssyncset.done $0x0  }
0xa7: {  	s25 =	simm.s32 $0x1B8E;
	s24 =	sld [smem:$0x3FFE];
	[sflag:s23] =	ssyncadd.s32 $0xFFFFFFFF  }
0xa8: {  	s26 =	simm.s32 $execute0_lowered;
	[smem:$0x3FD2] =	sst s25  }
0xa9: {  	s8 =	sshll.u32 s26, $0x1;
	_ =	strace $0x80000046;
	[dreg:$0x1] =	wrdreg $0xFFFFFFFF  }
0xaa: {  	s28 =	simm.s32 $_size_execute0_lowered;
	s6 =	sadd.s32 s6, s8;
	[dreg:$0x0] =	wrdreg $0x0  }
0xab: {  	s8 =	sshll.u32 s28, $0x1;
	[dreg:$0x2] =	wrdreg s6  }
0xac: {  	[dreg:$0x3] =	wrdreg s8  }
0xad: {  	[dreg:$0x4] =	wrdreg $0xC0  }
0xae: {  	_ =	task [dreg:s10], $0x5FFFF  }
0xaf: {  	[dreg:$0x1] =	wrdreg $0xFFFFFFFF  }
0xb0: {  	[dreg:$0x0] =	wrdreg $0x60  }
0xb1: {  	[dreg:$0x2] =	wrdreg s2  }
0xb2: {  	[dreg:$0x3] =	wrdreg s18  }
0xb3: {  	[dreg:$0x4] =	wrdreg s4  }
0xb4: {  	[dreg:$0x5] =	wrdreg s5  }
0xb5: {  	[dreg:$0x6] =	wrdreg s24  }
0xb6: {  	[dreg:$0x7] =	wrdreg $0x9  }
0xb7: {  	_ =	task.clear_ibuf [dreg:s10], $0x8FFFF;
	_ =	strace $0x90000046  }
0xb8: {  	s29 =	simm.s32 $0x9;
	_ =	strace $0x80000048  }
0xb9: {  	_ =	swait.ge [sflag:s29], $0x1  }
0xba: {  	[sflag:s29] =	ssyncadd.s32 $0xFFFFFFFF  }
0xbb: {  	_ =	strace $0x90000048  }
0xbc: {  	_ =	sfence  }
0xbd: {  	s30 =	sld [smem:$0x0];
	_ =	sdelay $0x2  }
0xbe: {  	s31 =	sshll.u32 s1, $0xD;
	s1 =	sshrl.u32 s1, $0x2  }
0xbf: {  	s3 =	sand.u32 $0x4000, s31;
	s1 =	sadd.s32 s1, s30  }
0xc0: {  	s0 =	sor.u32 s3, s0;
	s1 =	sshll.u32 s1, $0x11  }
0xc1: {  	s0 =	sor.u32 s1, s0  }
0xc2: {  	s0 =	sadd.s32 $0x8F2B, s0  }
0xc3: {  	[sflag:s0] =	ssyncadd.remote.s32 $0x1  }
0xc4: {  	_ =	sfence.sel $0xFFFF  }
0xc5: {  	[dreg:$0x0] =	wrdreg $0xFFFFFFFF;
	(pc) =	sbr.abs _section_cstart, $3  }
0xc6: {  	[dreg:$0x1] =	wrdreg $0xFFFFFFFF  }
0xc7: {  	_ =	task.clear_ibuf [dreg:s10], $0x2FFFF;
	_ =	strace $0x9FFFFFFF  }
0xc8: {  	(tm) =	ssettm $0x7FFFFFFF  }
0xc9: {  	_ =	shalt  }
tec
execute0_lowered:
.L_overlay_start_1:
0x0: {  	(tag) =	ssettag $0x1  }
0x1: {  	s5 =	rddreg [dreg:$0x0]  }
0x2: {  	s6 =	rddreg [dreg:$0x1];
	s0 =	stileid.u32  }
0x3: {  	s1 =	rddreg [dreg:$0x2];
	s2 =	srdreg.scid;
	s4 =	sshll.u32 s0, $0x1  }
0x4: {  	s3 =	rddreg [dreg:$0x3];
	s2 =	sand.u32 $0x1, s2;
	s4 =	sand.u32 $0x6, s4  }
0x5: {  	s7 =	rddreg [dreg:$0x4];
	s4 =	sor.u32 s2, s4  }
0x6: {  	s17 =	simm.s32 $0x80;
	s10 =	sshll.u32 s4, $0x6;
	s4 =	simm.s32 $0x0  }
0x7: {  	s18 =	simm.s32 $0x900;
	s19 =	simm.s32 $0x1100;
	[smem:$0x7FF] =	sst s4  }
0x8: {  	s20 =	simm.s32 $0x1900;
	_ =	strace $0x80000047;
	[dreg:$0xa] =	wrdreg s17  }
0x9: {  	s21 =	simm.s32 $0x2100;
	s22 =	simm.s32 $0x2900;
	[dreg:$0xb] =	wrdreg s18  }
0xa: {  	s23 =	simm.s32 $0x3100;
	s24 =	simm.s32 $0x3900;
	[dreg:$0xc] =	wrdreg s19  }
0xb: {  	s25 =	simm.s32 $0x4100;
	s26 =	simm.s32 $0x4900;
	[dreg:$0xd] =	wrdreg s20  }
0xc: {  	s28 =	simm.s32 $0x16900;
	s29 =	simm.s32 $0x17100;
	[dreg:$0xe] =	wrdreg s21  }
0xd: {  	s30 =	simm.s32 $0x17900;
	s31 =	simm.s32 $0x1;
	[dreg:$0xf] =	wrdreg s22  }
0xe: {  	s8 =	sshrl.u32 s0, $0x2;
	s7 =	sadd.s32 $0x1400, s7;
	[dreg:$0x10] =	wrdreg s23  }
0xf: {  	s0 =	simm.s32 $0x5100;
	s9 =	sshll.u32 s8, $0xA;
	[dreg:$0x11] =	wrdreg s24  }
0x10: {  	s8 =	sshll.u32 s8, $0x9;
	s2 =	ssub.s32 $0x2, s2;
	[dreg:$0x12] =	wrdreg s25  }
0x11: {  	s9 =	sor.u32 s9, s10;
	s8 =	sor.u32 s8, s10;
	[dreg:$0x13] =	wrdreg s26  }
0x12: {  	s10 =	simm.s32 $0x7900;
	s9 =	sshrl.u32 s9, $0x3;
	[dreg:$0x14] =	wrdreg s0  }
0x13: {  	s8 =	sshrl.u32 s8, $0x3;
	[dreg:$0x19] =	wrdreg s10;
	s18 =	simm.s32 $0xB100  }
0x14: {  	s17 =	sshrl.u32 s2, $0x1;
	s19 =	simm.s32 $0xB900;
	[smem:$0x7F5] =	sst s18  }
0x15: {  	s20 =	simm.s32 $0xC900;
	s21 =	simm.s32 $0xD100;
	[smem:$0x7F6] =	sst s19  }
0x16: {  	s22 =	simm.s32 $0xD900;
	s23 =	simm.s32 $0xE100;
	[smem:$0x7F7] =	sst s20  }
0x17: {  	s24 =	simm.s32 $0xE900;
	s10 =	simm.s32 $0x3;
	[smem:$0x7F8] =	sst s21  }
0x18: {  	s25 =	simm.s32 $0xF100;
	s26 =	simm.s32 $0xF900;
	[smem:$0x7F9] =	sst s22  }
0x19: {  	s11 =	smul.u32 $0x1800, s9;
	s5 =	sadd.s32 s5, s8;
	[smem:$0x7FA] =	sst s23  }
0x1a: {  	s12 =	smul.u32 $0x300, s9;
	s13 =	sadd.s32 s6, s9;
	[smem:$0x7FB] =	sst s24  }
0x1b: {  	s8 =	simm.s32 $0x6900;
	s9 =	simm.s32 $0x7100;
	[smem:$0x7FC] =	sst s25  }
0x1c: {  	s2 =	ssub.s32 s2, s17;
	[smem:$0x7FD] =	sst s26;
	s17 =	simm.s32 $0x11900  }
0x1d: {  	s18 =	simm.s32 $0x12100;
	s19 =	simm.s32 $0x12900;
	s20 =	simm.s32 $0x13100  }
0x1e: {  	s21 =	simm.s32 $0x13900;
	s22 =	simm.s32 $0x14100;
	[dreg:$0x6] =	wrdreg s5  }
0x1f: {  	s23 =	simm.s32 $0x14900;
	s24 =	simm.s32 $0x15100;
	[dreg:$0x7] =	wrdreg s13  }
0x20: {  	s25 =	simm.s32 $0x15900;
	s26 =	simm.s32 $0x16100;
	[dreg:$0x17] =	wrdreg s8  }
0x21: {  	[dreg:$0x18] =	wrdreg s9;
	s13 =	simm.s32 $0x9100;
	s5 =	sadd.s32 $0x100, s1  }
0x22: {  	s8 =	sadd.s32 $0x200, s3;
	s15 =	sadd.s32 s7, s12;
	[dreg:$0x1c] =	wrdreg s13  }
0x23: {  	s14 =	sshrl.u32 s11, $0x3;
	s11 =	simm.s32 $0x8100;
	[dreg:$0x8] =	wrdreg s15  }
0x24: {  	s9 =	smax.u32 s2, $0x1;
	s12 =	simm.s32 $0x8900;
	[dreg:$0x1a] =	wrdreg s11  }
0x25: {  	s6 =	sadd.s32 s7, s14;
	s7 =	simm.s32 $0x6100;
	[dreg:$0x1b] =	wrdreg s12  }
0x26: {  	s2 =	simm.s32 $0x2;
	s14 =	simm.s32 $0x9900;
	[dreg:$0x16] =	wrdreg s7  }
0x27: {  	s13 =	simm.s32 $0xC100;
	s15 =	simm.s32 $0xA100;
	[dreg:$0x1d] =	wrdreg s14  }
0x28: {  	s11 =	simm.s32 $0x4;
	s16 =	sadd.s32 $0xC000, s6;
	[dreg:$0x1e] =	wrdreg s15  }
0x29: {  	v2 =	vlaneseq.u32;
	s12 =	simm.s32 $0x100;
	s6 =	simm.s32 $0x5900;
	[dreg:$0x9] =	wrdreg s16  }
0x2a: {  	vm0 =	vmmov $0xffff;
	v1 =	vshrl.u32 v2, $0x3;
	s7 =	sadd.s32 $0x100, s3;
	[dreg:$0x15] =	wrdreg s6;
	s16 =	simm.s32 $0xA900  }
0x2b: {  	v0 =	vand.u32 $0x7, v2;
	v2 =	vor.u32 $0x8, v2;
	v1 =	vmul.u32 $0x8, v1;
	s6 =	sadd.s32 $0x200, s1;
	[dreg:$0x1f] =	wrdreg s16;
	s16 =	simm.s32 $0x11100  }
.LBB2_1:
0x2c: {  	s0 =	rddreg [dreg:$0x6]  }
0x2d: {  	s14 =	rddreg [dreg:$0x7]  }
0x2e: {  	[tilespmem:s4], [sflag:$0x3] =	stream.linear.gather [hbm4b:s0+s4], $0x40, $0x38;
	[tilespmem:$0x18100] =	vst v63  }
0x2f: {  	s15 =	rddreg [dreg:$0xa]  }
0x30: {  	[tilespmem:s15], [sflag:$0x4] =	stream.linear.gather [hbm4b:s14+s4], $0x40, $0x38;
	[tilespmem:$0x18100] =	vst v63  }
0x31: {  	_ =	swait.ge [sflag:s10], $0x40  }
0x32: {  	[sflag:s10] =	ssyncset.done $0x0  }
0x33: {  	[sflag:s10] =	ssyncadd.s32 $0xFFFFFFC0  }
0x34: {  	_ =	swait.ge [sflag:s11], $0x40  }
0x35: {  	[sflag:s11] =	ssyncset.done $0x0  }
0x36: {  	[sflag:s11] =	ssyncadd.s32 $0xFFFFFFC0  }
0x37: {  	v3 =	vld [tilespmem:$0x0];
	_ =	sdelay $0x4  }
0x38: {  	v4 =	vshrl.u32 v3, $0x3  }
0x39: {  	v4 =	vmul.u32 $0x30, v4  }
0x3a: {  	v3 =	vand.u32 $0x7, v3  }
0x3b: {  	v3 =	vor.u32 v3, v4  }
0x3c: {  	v4 =	vperm.xlane v3, v0;
	_ =	sdelay $0x1  }
0x3d: {  	v4 =	vadd.s32 v1, v4;
	_ =	sdelay $0x3  }
0x3e: {  	v3 =	vperm.xlane v3, v2  }
0x3f: {  	[tilespmem:s12], [sflag:$0x1] =	stream.indirect_vreg.gather [hbm4b:s1+s4], $0x80, v4, vm0, $0xb8;
	[tilespmem:$0x18100] =	vst v63  }
0x40: {  	s15 =	rddreg [dreg:$0xb];
	v3 =	vadd.s32 v1, v3  }
0x41: {  	[tilespmem:s15], [sflag:$0x1] =	stream.indirect_vreg.gather [hbm4b:s5+s4], $0x80, v4, vm0, $0xb8;
	[tilespmem:$0x18100] =	vst v63  }
0x42: {  	s14 =	rddreg [dreg:$0xc]  }
0x43: {  	[tilespmem:s14], [sflag:$0x1] =	stream.indirect_vreg.gather [hbm4b:s6+s4], $0x80, v4, vm0, $0xb8;
	[tilespmem:$0x18100] =	vst v63  }
0x44: {  	s15 =	rddreg [dreg:$0xd]  }
0x45: {  	[tilespmem:s15], [sflag:$0x1] =	stream.indirect_vreg.gather [hbm4b:s1+s4], $0x80, v3, vm0, $0xb8;
	[tilespmem:$0x18100] =	vst v63  }
0x46: {  	s14 =	rddreg [dreg:$0xe]  }
0x47: {  	[tilespmem:s14], [sflag:$0x1] =	stream.indirect_vreg.gather [hbm4b:s5+s4], $0x80, v3, vm0, $0xb8;
	[tilespmem:$0x18100] =	vst v63  }
0x48: {  	s15 =	rddreg [dreg:$0xf]  }
0x49: {  	[tilespmem:s15], [sflag:$0x1] =	stream.indirect_vreg.gather [hbm4b:s6+s4], $0x80, v3, vm0, $0xb8;
	[tilespmem:$0x18100] =	vst v63  }
0x4a: {  	v3 =	vld [tilespmem:$0x10];
	_ =	sdelay $0x4  }
0x4b: {  	v57 =	vshrl.u32 v3, $0x3  }
0x4c: {  	v4 =	vmul.u32 $0x30, v57  }
0x4d: {  	v3 =	vand.u32 $0x7, v3  }
0x4e: {  	v3 =	vor.u32 v3, v4  }
0x4f: {  	v4 =	vperm.xlane v3, v0;
	_ =	sdelay $0x1  }
0x50: {  	v4 =	vadd.s32 v1, v4;
	_ =	sdelay $0x3  }
0x51: {  	s14 =	rddreg [dreg:$0x10];
	v3 =	vperm.xlane v3, v2  }
0x52: {  	[tilespmem:s14], [sflag:$0x1] =	stream.indirect_vreg.gather [hbm4b:s1+s4], $0x80, v4, vm0, $0xb8;
	[tilespmem:$0x18100] =	vst v63  }
0x53: {  	s15 =	rddreg [dreg:$0x11];
	v3 =	vadd.s32 v1, v3  }
0x54: {  	[tilespmem:s15], [sflag:$0x1] =	stream.indirect_vreg.gather [hbm4b:s5+s4], $0x80, v4, vm0, $0xb8;
	[tilespmem:$0x18100] =	vst v63  }
0x55: {  	s0 =	rddreg [dreg:$0x12]  }
0x56: {  	[tilespmem:s0], [sflag:$0x1] =	stream.indirect_vreg.gather [hbm4b:s6+s4], $0x80, v4, vm0, $0xb8;
	[tilespmem:$0x18100] =	vst v63  }
0x57: {  	s15 =	rddreg [dreg:$0x13]  }
0x58: {  	[tilespmem:s15], [sflag:$0x1] =	stream.indirect_vreg.gather [hbm4b:s1+s4], $0x80, v3, vm0, $0xb8;
	[tilespmem:$0x18100] =	vst v63  }
0x59: {  	s0 =	rddreg [dreg:$0x14]  }
0x5a: {  	[tilespmem:s0], [sflag:$0x1] =	stream.indirect_vreg.gather [hbm4b:s5+s4], $0x80, v3, vm0, $0xb8;
	[tilespmem:$0x18100] =	vst v63  }
0x5b: {  	s15 =	rddreg [dreg:$0x15]  }
0x5c: {  	[tilespmem:s15], [sflag:$0x1] =	stream.indirect_vreg.gather [hbm4b:s6+s4], $0x80, v3, vm0, $0xb8;
	[tilespmem:$0x18100] =	vst v63  }
0x5d: {  	v3 =	vld [tilespmem:$0x20];
	_ =	sdelay $0x4  }
0x5e: {  	v58 =	vshrl.u32 v3, $0x3  }
0x5f: {  	v4 =	vmul.u32 $0x30, v58  }
0x60: {  	v3 =	vand.u32 $0x7, v3  }
0x61: {  	v3 =	vor.u32 v3, v4  }
0x62: {  	v4 =	vperm.xlane v3, v0;
	_ =	sdelay $0x1  }
0x63: {  	v4 =	vadd.s32 v1, v4;
	_ =	sdelay $0x3  }
0x64: {  	s14 =	rddreg [dreg:$0x16];
	v3 =	vperm.xlane v3, v2  }
0x65: {  	[tilespmem:s14], [sflag:$0x1] =	stream.indirect_vreg.gather [hbm4b:s1+s4], $0x80, v4, vm0, $0xb8;
	[tilespmem:$0x18100] =	vst v63  }
0x66: {  	s15 =	rddreg [dreg:$0x17];
	v3 =	vadd.s32 v1, v3  }
0x67: {  	[tilespmem:s15], [sflag:$0x1] =	stream.indirect_vreg.gather [hbm4b:s5+s4], $0x80, v4, vm0, $0xb8;
	[tilespmem:$0x18100] =	vst v63  }
0x68: {  	s0 =	rddreg [dreg:$0x18]  }
0x69: {  	[tilespmem:s0], [sflag:$0x1] =	stream.indirect_vreg.gather [hbm4b:s6+s4], $0x80, v4, vm0, $0xb8;
	[tilespmem:$0x18100] =	vst v63  }
0x6a: {  	s15 =	rddreg [dreg:$0x19]  }
0x6b: {  	[tilespmem:s15], [sflag:$0x1] =	stream.indirect_vreg.gather [hbm4b:s1+s4], $0x80, v3, vm0, $0xb8;
	[tilespmem:$0x18100] =	vst v63  }
0x6c: {  	s0 =	rddreg [dreg:$0x1a]  }
0x6d: {  	[tilespmem:s0], [sflag:$0x1] =	stream.indirect_vreg.gather [hbm4b:s5+s4], $0x80, v3, vm0, $0xb8;
	[tilespmem:$0x18100] =	vst v63  }
0x6e: {  	s15 =	rddreg [dreg:$0x1b]  }
0x6f: {  	[tilespmem:s15], [sflag:$0x1] =	stream.indirect_vreg.gather [hbm4b:s6+s4], $0x80, v3, vm0, $0xb8;
	[tilespmem:$0x18100] =	vst v63  }
0x70: {  	v3 =	vld [tilespmem:$0x30];
	_ =	sdelay $0x4  }
0x71: {  	v59 =	vshrl.u32 v3, $0x3  }
0x72: {  	v4 =	vmul.u32 $0x30, v59  }
0x73: {  	v3 =	vand.u32 $0x7, v3  }
0x74: {  	v3 =	vor.u32 v3, v4  }
0x75: {  	v4 =	vperm.xlane v3, v0;
	_ =	sdelay $0x1  }
0x76: {  	v4 =	vadd.s32 v1, v4;
	_ =	sdelay $0x2  }
0x77: {  	s14 =	rddreg [dreg:$0x1c]  }
0x78: {  	s0 =	rddreg [dreg:$0x1e];
	v3 =	vperm.xlane v3, v2  }
0x79: {  	[tilespmem:s14], [sflag:$0x1] =	stream.indirect_vreg.gather [hbm4b:s1+s4], $0x80, v4, vm0, $0xb8;
	[tilespmem:$0x18100] =	vst v63  }
0x7a: {  	s15 =	rddreg [dreg:$0x1d];
	v3 =	vadd.s32 v1, v3  }
0x7b: {  	[tilespmem:s15], [sflag:$0x1] =	stream.indirect_vreg.gather [hbm4b:s5+s4], $0x80, v4, vm0, $0xb8;
	[tilespmem:$0x18100] =	vst v63  }
0x7c: {  	s15 =	rddreg [dreg:$0x1f]  }
0x7d: {  	[tilespmem:s0], [sflag:$0x1] =	stream.indirect_vreg.gather [hbm4b:s6+s4], $0x80, v4, vm0, $0xb8;
	[tilespmem:$0x18100] =	vst v63  }
0x7e: {  	s0 =	sld [smem:$0x7F5]  }
0x7f: {  	[tilespmem:s15], [sflag:$0x1] =	stream.indirect_vreg.gather [hbm4b:s1+s4], $0x80, v3, vm0, $0xb8;
	[tilespmem:$0x18100] =	vst v63  }
0x80: {  	s15 =	sld [smem:$0x7F6]  }
0x81: {  	[tilespmem:s0], [sflag:$0x1] =	stream.indirect_vreg.gather [hbm4b:s5+s4], $0x80, v3, vm0, $0xb8;
	[tilespmem:$0x18100] =	vst v63  }
0x82: {  	_ = 	snop  }
0x83: {  	[tilespmem:s15], [sflag:$0x1] =	stream.indirect_vreg.gather [hbm4b:s6+s4], $0x80, v3, vm0, $0xb8;
	[tilespmem:$0x18100] =	vst v63  }
0x84: {  	v3 =	vld [tilespmem:$0x80];
	_ =	sdelay $0x4  }
0x85: {  	v60 =	vshrl.u32 v3, $0x3  }
0x86: {  	v4 =	vmul.u32 $0x30, v60  }
0x87: {  	v3 =	vand.u32 $0x7, v3  }
0x88: {  	v3 =	vor.u32 v3, v4  }
0x89: {  	v4 =	vperm.xlane v3, v0;
	_ =	sdelay $0x1  }
0x8a: {  	v4 =	vadd.s32 v1, v4;
	_ =	sdelay $0x3  }
0x8b: {  	s15 =	sld [smem:$0x7F7];
	v3 =	vperm.xlane v3, v2  }
0x8c: {  	[tilespmem:s13], [sflag:$0x2] =	stream.indirect_vreg.gather [hbm4b:s3+s4], $0x80, v4, vm0, $0xb8;
	[tilespmem:$0x18100] =	vst v63  }
0x8d: {  	s14 =	sld [smem:$0x7F8];
	v3 =	vadd.s32 v1, v3  }
0x8e: {  	[tilespmem:s15], [sflag:$0x2] =	stream.indirect_vreg.gather [hbm4b:s7+s4], $0x80, v4, vm0, $0xb8;
	[tilespmem:$0x18100] =	vst v63  }
0x8f: {  	s15 =	sld [smem:$0x7F9]  }
0x90: {  	[tilespmem:s14], [sflag:$0x2] =	stream.indirect_vreg.gather [hbm4b:s8+s4], $0x80, v4, vm0, $0xb8;
	[tilespmem:$0x18100] =	vst v63  }
0x91: {  	s14 =	sld [smem:$0x7FA]  }
0x92: {  	[tilespmem:s15], [sflag:$0x2] =	stream.indirect_vreg.gather [hbm4b:s3+s4], $0x80, v3, vm0, $0xb8;
	[tilespmem:$0x18100] =	vst v63  }
0x93: {  	s15 =	sld [smem:$0x7FB]  }
0x94: {  	[tilespmem:s14], [sflag:$0x2] =	stream.indirect_vreg.gather [hbm4b:s7+s4], $0x80, v3, vm0, $0xb8;
	[tilespmem:$0x18100] =	vst v63  }
0x95: {  	_ = 	snop  }
0x96: {  	[tilespmem:s15], [sflag:$0x2] =	stream.indirect_vreg.gather [hbm4b:s8+s4], $0x80, v3, vm0, $0xb8;
	[tilespmem:$0x18100] =	vst v63  }
0x97: {  	v3 =	vld [tilespmem:$0x90];
	_ =	sdelay $0x4  }
0x98: {  	v61 =	vshrl.u32 v3, $0x3  }
0x99: {  	v4 =	vmul.u32 $0x30, v61  }
0x9a: {  	v3 =	vand.u32 $0x7, v3  }
0x9b: {  	v3 =	vor.u32 v3, v4  }
0x9c: {  	v4 =	vperm.xlane v3, v0;
	_ =	sdelay $0x1  }
0x9d: {  	v4 =	vadd.s32 v1, v4;
	_ =	sdelay $0x1  }
0x9e: {  	s14 =	sld [smem:$0x7FC];
	_ =	sdelay $0x1  }
0x9f: {  	s15 =	sld [smem:$0x7FD];
	v3 =	vperm.xlane v3, v2  }
0xa0: {  	[tilespmem:s14], [sflag:$0x2] =	stream.indirect_vreg.gather [hbm4b:s3+s4], $0x80, v4, vm0, $0xb8;
	[tilespmem:$0x18100] =	vst v63  }
0xa1: {  	v3 =	vadd.s32 v1, v3  }
0xa2: {  	[tilespmem:s15], [sflag:$0x2] =	stream.indirect_vreg.gather [hbm4b:s7+s4], $0x80, v4, vm0, $0xb8;
	[tilespmem:$0x18100] =	vst v63  }
0xa3: {  	s14 =	simm.s32 $0x10100  }
0xa4: {  	[tilespmem:s14], [sflag:$0x2] =	stream.indirect_vreg.gather [hbm4b:s8+s4], $0x80, v4, vm0, $0xb8;
	[tilespmem:$0x18100] =	vst v63  }
0xa5: {  	s15 =	simm.s32 $0x10900  }
0xa6: {  	[tilespmem:s15], [sflag:$0x2] =	stream.indirect_vreg.gather [hbm4b:s3+s4], $0x80, v3, vm0, $0xb8;
	[tilespmem:$0x18100] =	vst v63  }
0xa7: {  	_ = 	snop  }
0xa8: {  	[tilespmem:s16], [sflag:$0x2] =	stream.indirect_vreg.gather [hbm4b:s7+s4], $0x80, v3, vm0, $0xb8;
	[tilespmem:$0x18100] =	vst v63  }
0xa9: {  	_ = 	snop  }
0xaa: {  	[tilespmem:s17], [sflag:$0x2] =	stream.indirect_vreg.gather [hbm4b:s8+s4], $0x80, v3, vm0, $0xb8;
	[tilespmem:$0x18100] =	vst v63  }
0xab: {  	v3 =	vld [tilespmem:$0xA0];
	_ =	sdelay $0x4  }
0xac: {  	v62 =	vshrl.u32 v3, $0x3  }
0xad: {  	v4 =	vmul.u32 $0x30, v62  }
0xae: {  	v3 =	vand.u32 $0x7, v3  }
0xaf: {  	v3 =	vor.u32 v3, v4  }
0xb0: {  	v4 =	vperm.xlane v3, v0;
	_ =	sdelay $0x1  }
0xb1: {  	v4 =	vadd.s32 v1, v4;
	_ =	sdelay $0x3  }
0xb2: {  	v3 =	vperm.xlane v3, v2  }
0xb3: {  	[tilespmem:s18], [sflag:$0x2] =	stream.indirect_vreg.gather [hbm4b:s3+s4], $0x80, v4, vm0, $0xb8;
	[tilespmem:$0x18100] =	vst v63  }
0xb4: {  	v3 =	vadd.s32 v1, v3  }
0xb5: {  	[tilespmem:s19], [sflag:$0x2] =	stream.indirect_vreg.gather [hbm4b:s7+s4], $0x80, v4, vm0, $0xb8;
	[tilespmem:$0x18100] =	vst v63  }
0xb6: {  	_ = 	snop  }
0xb7: {  	[tilespmem:s20], [sflag:$0x2] =	stream.indirect_vreg.gather [hbm4b:s8+s4], $0x80, v4, vm0, $0xb8;
	[tilespmem:$0x18100] =	vst v63  }
0xb8: {  	_ = 	snop  }
0xb9: {  	[tilespmem:s21], [sflag:$0x2] =	stream.indirect_vreg.gather [hbm4b:s3+s4], $0x80, v3, vm0, $0xb8;
	[tilespmem:$0x18100] =	vst v63  }
0xba: {  	_ = 	snop  }
0xbb: {  	[tilespmem:s22], [sflag:$0x2] =	stream.indirect_vreg.gather [hbm4b:s7+s4], $0x80, v3, vm0, $0xb8;
	[tilespmem:$0x18100] =	vst v63  }
0xbc: {  	_ = 	snop  }
0xbd: {  	[tilespmem:s23], [sflag:$0x2] =	stream.indirect_vreg.gather [hbm4b:s8+s4], $0x80, v3, vm0, $0xb8;
	[tilespmem:$0x18100] =	vst v63  }
0xbe: {  	v3 =	vld [tilespmem:$0xB0];
	_ =	sdelay $0x4  }
0xbf: {  	v63 =	vshrl.u32 v3, $0x3  }
0xc0: {  	v4 =	vmul.u32 $0x30, v63  }
0xc1: {  	v3 =	vand.u32 $0x7, v3  }
0xc2: {  	v3 =	vor.u32 v3, v4  }
0xc3: {  	v4 =	vperm.xlane v3, v0;
	_ =	sdelay $0x1  }
0xc4: {  	v4 =	vadd.s32 v1, v4;
	_ =	sdelay $0x3  }
0xc5: {  	v3 =	vperm.xlane v3, v2  }
0xc6: {  	[tilespmem:s24], [sflag:$0x2] =	stream.indirect_vreg.gather [hbm4b:s3+s4], $0x80, v4, vm0, $0xb8;
	[tilespmem:$0x18100] =	vst v63  }
0xc7: {  	v3 =	vadd.s32 v1, v3  }
0xc8: {  	[tilespmem:s25], [sflag:$0x2] =	stream.indirect_vreg.gather [hbm4b:s7+s4], $0x80, v4, vm0, $0xb8;
	[tilespmem:$0x18100] =	vst v63  }
0xc9: {  	_ = 	snop  }
0xca: {  	[tilespmem:s26], [sflag:$0x2] =	stream.indirect_vreg.gather [hbm4b:s8+s4], $0x80, v4, vm0, $0xb8;
	[tilespmem:$0x18100] =	vst v63  }
0xcb: {  	_ = 	snop  }
0xcc: {  	[tilespmem:s28], [sflag:$0x2] =	stream.indirect_vreg.gather [hbm4b:s3+s4], $0x80, v3, vm0, $0xb8;
	[tilespmem:$0x18100] =	vst v63  }
0xcd: {  	_ = 	snop  }
0xce: {  	[tilespmem:s29], [sflag:$0x2] =	stream.indirect_vreg.gather [hbm4b:s7+s4], $0x80, v3, vm0, $0xb8;
	[tilespmem:$0x18100] =	vst v63  }
0xcf: {  	_ = 	snop  }
0xd0: {  	[tilespmem:s30], [sflag:$0x2] =	stream.indirect_vreg.gather [hbm4b:s8+s4], $0x80, v3, vm0, $0xb8;
	[tilespmem:$0x18100] =	vst v63  }
0xd1: {  	_ =	swait.ge [sflag:s31], $0xC000  }
0xd2: {  	[sflag:s31] =	ssyncset.done $0x0  }
0xd3: {  	s14 =	rddreg [dreg:$0x8];
	[sflag:s31] =	ssyncadd.s32 $0xFFFF4000  }
0xd4: {  	[hbm4b:s14+s4] =	stream.linear.scatter [tilespmem:s12], [sflag:$0x3], $0xC000, $0x38;
	[tilespmem:$0x18100] =	vst v63  }
0xd5: {  	_ =	swait.ge [sflag:s2], $0xC000  }
0xd6: {  	[sflag:s2] =	ssyncset.done $0x0  }
0xd7: {  	s15 =	rddreg [dreg:$0x9];
	[sflag:s2] =	ssyncadd.s32 $0xFFFF4000  }
0xd8: {  	[hbm4b:s15+s4] =	stream.linear.scatter [tilespmem:s13], [sflag:$0x4], $0xC000, $0x38;
	[tilespmem:$0x18100] =	vst v63  }
0xd9: {  	p0 =	sne.s32 s9, $0x1;
	_ =	swait.ge [sflag:s10], $0xC000  }
.Ltmp0:
0xda: {  	[sflag:s10] =	ssyncset.done $0x0;
	(pc) =	sbr.rel @p0 .LBB2_1-.Ltmp0, $4  }
0xdb: {  	[sflag:s10] =	ssyncadd.s32 $0xFFFF4000  }
0xdc: {  	_ =	swait.ge [sflag:s11], $0xC000  }
0xdd: {  	[sflag:s11] =	ssyncset.done $0x0  }
0xde: {  	s9 =	sadd.s32 $0xFFFFFFFF, s9;
	[sflag:s11] =	ssyncadd.s32 $0xFFFF4000  }
0xdf: {  	_ =	sfence.sel $0x180000  }
0xe0: {  	[bflag:$0x0] =	sbarrier.arrive $0xFFFF  }
0xe1: {  	_ =	strace $0x90000047  }
0xe2: {  	s0 =	stileid.u32;
	[bflag:$0x2] =	sbarrier.arrive $0xFFFF  }
0xe3: {  	p0 =	sne.s32 s0, $0x0;
	s0 =	rddreg [dreg:$0x5]  }
0xe4: {  	s0 =	sadd.s32 @!p0 $0x100000, s0  }
0xe5: {  	[sflag:s0] =	ssyncadd.tile.s32 @!p0 $0x1;
	_ =	shalt  }
.Lfunc_end2:
_tile_overlayer_lowered:
.L_overlay_start_2:
0xe6: {  	(tag) =	ssettag $0x2  }
0xe7: {  	s0 =	rddreg [dreg:$0x0];
	s2 =	stileid.u32  }
0xe8: {  	s1 =	rddreg [dreg:$0x1];
	p0 =	sne.s32 s2, $0x0  }
0xe9: {  	s3 =	rddreg [dreg:$0x2];
	[bflag:$0x3] =	sbarrier.arrive $0xFFFF;
	s2 =	simm.s32 @!p0 $0x1C05  }
0xea: {  	[timem:s3], [sflag:s2] =	dma.local @!p0 [hbm:s0], s1  }
0xeb: {  	s0 =	simm.s32 @!p0 $0x5  }
0xec: {  	_ =	swait.ge @!p0 [sflag:s0], s1  }
0xed: {  	s1 =	ssub.s32 @!p0 $0x0, s1;
	[sflag:s0] =	ssyncset.done @!p0 $0x0  }
0xee: {  	[sflag:s0] =	ssyncadd.s32 @!p0 s1  }
0xef: {  	[bflag:$0x3] =	sbarrier.arrive $0xFFFF  }
0xf0: {  	_ =	shalt  }

</sc_bundles>
